<compile_context>
chip_gen: v7x
topology: tpu7x:2x2x1
jax: 0.10.2.dev20260603
libtpu: 0.0.44.dev20260713+nightly
codegen_flags: <defaults>
</compile_context>

<pallas_src>
import jax
import jax.numpy as jnp
from jax.experimental import pallas as pl
from jax.experimental.pallas import tpu as pltpu

BS = 128
NP = 1024
NV = 16
PL = 12
C = NV * PL
K_TIME = 512
K_FREQ = 409


def _body(x_ref, xt_ref, tm_ref, xf_ref, fm_ref, ut_ref):
    b = pl.program_id(0)

    @pl.when(b == 0)
    def _init_ut():
        r = jax.lax.broadcasted_iota(jnp.int32, (NP, NP), 0)
        c = jax.lax.broadcasted_iota(jnp.int32, (NP, NP), 1)
        ut_ref[...] = (r < c).astype(jnp.bfloat16)

    xb = x_ref[...]

    ci = jax.lax.broadcasted_iota(jnp.int32, (C, NV), 0)
    vi = jax.lax.broadcasted_iota(jnp.int32, (C, NV), 1)
    S = jnp.where(ci // PL == vi, 1.0, 0.0).astype(jnp.float32)

    sums = jnp.dot(xb, S, preferred_element_type=jnp.float32,
                   precision=jax.lax.Precision.HIGHEST)
    sumsq = jnp.dot(xb * xb, S, preferred_element_type=jnp.float32,
                    precision=jax.lax.Precision.HIGHEST)
    mean = sums * (1.0 / PL)
    var = (sumsq - sums * mean) * (1.0 / (PL - 1))
    var = jnp.maximum(var, 0.0)
    cv = jnp.sqrt(var) / (mean + 1e-6)

    cvt = cv.T
    bits1 = jax.lax.bitcast_convert_type(cvt, jnp.int32)
    bits = jnp.concatenate([bits1, bits1], axis=0)
    rowi = jax.lax.broadcasted_iota(jnp.int32, (2 * NV, 1), 0)
    kvec = jnp.where(rowi < NV, K_TIME, K_FREQ)

    t = jnp.zeros((2 * NV, 1), jnp.int32)
    for shift in range(30, -1, -1):
        cand = t | (1 << shift)
        cnt = jnp.sum((bits >= cand).astype(jnp.int32), axis=1, keepdims=True)
        t = jnp.where(cnt >= kvec, cand, t)

    gt = bits > t
    eq = bits == t
    g = jnp.sum(gt.astype(jnp.int32), axis=1, keepdims=True)
    need = (kvec - g).astype(jnp.float32)
    prefix = jnp.dot(eq.astype(jnp.bfloat16), ut_ref[...],
                     preferred_element_type=jnp.float32)
    tie = eq & (prefix < need)
    keep = 1.0 - (gt | tie).astype(jnp.float32)

    tmask = keep[:NV].T
    fmask = keep[NV:].T
    tm_ref[...] = tmask
    fm_ref[...] = fmask

    St = jnp.where(vi.T == ci.T // PL, 1.0, 0.0).astype(jnp.float32)
    xt_ref[...] = xb * jnp.dot(tmask, St, preferred_element_type=jnp.float32)
    xf_ref[...] = xb * jnp.dot(fmask, St, preferred_element_type=jnp.float32)


def _run(x2, interpret=False):
    return pl.pallas_call(
        _body,
        grid=(BS,),
        in_specs=[pl.BlockSpec((None, NP, C), lambda b: (b, 0, 0))],
        out_specs=(
            pl.BlockSpec((None, NP, C), lambda b: (b, 0, 0)),
            pl.BlockSpec((None, NP, NV), lambda b: (b, 0, 0)),
            pl.BlockSpec((None, NP, C), lambda b: (b, 0, 0)),
            pl.BlockSpec((None, NP, NV), lambda b: (b, 0, 0)),
        ),
        out_shape=(
            jax.ShapeDtypeStruct((BS, NP, C), jnp.float32),
            jax.ShapeDtypeStruct((BS, NP, NV), jnp.float32),
            jax.ShapeDtypeStruct((BS, NP, C), jnp.float32),
            jax.ShapeDtypeStruct((BS, NP, NV), jnp.float32),
        ),
        scratch_shapes=[pltpu.VMEM((NP, NP), jnp.bfloat16)],
        interpret=interpret,
    )(x2)


def kernel(x):
    bs, np_, nv, plen = x.shape
    x2 = x.reshape(bs, np_, nv * plen)
    xt, tm, xf, fm = _run(x2)
    return (xt.reshape(x.shape), tm, xf.reshape(x.shape), fm)

# --- scband reference (transcript-rebuilt; emitter-appended) ---
"""Pipeline reference for scband-time-freq-masking-47974784696501 (READ-ONLY COPY).

The authoritative reference and input builder live on the scoring server;
editing this copy changes nothing except your own understanding.
"""

import jax, jax.numpy as jnp
import numpy as np

MASK_RATIO = 0.4
TIME_RATIO = 0.5
FREQ_RATIO = 0.4
PATCH_SIZE = 12


def setup_inputs(seed: int = 0) -> dict:
    key = jax.random.key(seed)
    x = jax.random.uniform(key, (128, 1024, 16, 12), dtype=jnp.float32)
    return {"x": x}


def _build_patch_mask(x, ratio):
    # x: [bs, num_patch, n_vars, patch_len]
    bs, num_patch, n_vars, patch_len = x.shape
    # coefficient of variation over the patch_len axis, matching
    # cv = torch.std(x, dim=3) / (torch.mean(x, dim=3) + 1e-6)
    cv = jnp.std(x, axis=3, ddof=1) / (jnp.mean(x, axis=3) + 1e-6)  # [bs, num_patch, n_vars]
    num_masks = int(num_patch * ratio)
    # torch.topk(cv, k, dim=1): move num_patch to last axis for lax.top_k
    cv_t = jnp.swapaxes(cv, 1, 2)  # [bs, n_vars, num_patch]
    _, mask_idx = jax.lax.top_k(cv_t, num_masks)  # [bs, n_vars, num_masks]
    # patch_mask starts all ones (True), zero out top-cv patches (scatter overwrite)
    mask = jnp.ones((bs, n_vars, num_patch), dtype=jnp.float32)
    mask = jax.vmap(jax.vmap(lambda m, i: m.at[i].set(0.0)))(mask, mask_idx)
    mask = jnp.swapaxes(mask, 1, 2)  # [bs, num_patch, n_vars]
    return mask


def reference(x):
    # Core time/freq top-k masking from TimeFreqMasking (the encoder/decoder
    # submodules referenced in the original forward are never defined in
    # __init__, so the faithful runnable computation is mask construction
    # + application).
    time_mask = _build_patch_mask(x, TIME_RATIO)  # [bs, num_patch, n_vars]
    freq_mask = _build_patch_mask(x, FREQ_RATIO)
    x_time_masked = x * time_mask[..., None]
    x_freq_masked = x * freq_mask[..., None]
    return (x_time_masked, time_mask, x_freq_masked, freq_mask)

if __name__ == "__main__":
    import jax
    _d = setup_inputs()
    print(jax.jit(kernel)(*tuple(_d.values())))

</pallas_src>

<mosaic_0001>
module attributes {stable_mosaic.version = 14 : i64} {
  func.func @_body(%arg0: i32, %arg1: memref<1x1024x192xf32, #tpu.memory_space<vmem>>, %arg2: memref<1x1024x192xf32, #tpu.memory_space<vmem>>, %arg3: memref<1x1024x16xf32, #tpu.memory_space<vmem>>, %arg4: memref<1x1024x192xf32, #tpu.memory_space<vmem>>, %arg5: memref<1x1024x16xf32, #tpu.memory_space<vmem>>, %arg6: memref<1024x1024xbf16, #tpu.memory_space<vmem>>) attributes {dimension_semantics = [#tpu.dimension_semantics<arbitrary>], iteration_bounds = array<i64: 128>, scalar_prefetch = 0 : i64, scratch_operands = 1 : i64, tpu.core_type = #tpu.core_type<tc>, window_params = [{transform_indices = @transform_0, window_bounds = array<i64: 1, 1024, 192>}, {transform_indices = @transform_1, window_bounds = array<i64: 1, 1024, 192>}, {transform_indices = @transform_2, window_bounds = array<i64: 1, 1024, 16>}, {transform_indices = @transform_3, window_bounds = array<i64: 1, 1024, 192>}, {transform_indices = @transform_4, window_bounds = array<i64: 1, 1024, 16>}]} {
    %eq3A = arith.constant 0 : i32
    %eq3A_0 = arith.cmpi eq, %arg0, %eq3A : i32
    %convert_element_type3A = arith.extui %eq3A_0 : i1 to i32
    %cond3A = arith.constant 0 : i32
    %cond3A_1 = arith.cmpi ne, %convert_element_type3A, %cond3A : i32
    scf.if %cond3A_1 {
      %iota3A_496 = tpu.iota {dimensions = array<i32: 0>} : vector<1024x1024xi32>
      %iota3A_497 = tpu.iota {dimensions = array<i32: 1>} : vector<1024x1024xi32>
      %lt3A_498 = arith.cmpi slt, %iota3A_496, %iota3A_497 : vector<1024x1024xi32>
      %convert_element_type3A_499 = arith.extui %lt3A_498 : vector<1024x1024xi1> to vector<1024x1024xi32>
      %convert_element_type3A_500 = arith.sitofp %convert_element_type3A_499 : vector<1024x1024xi32> to vector<1024x1024xf32>
      %convert_element_type3A_501 = arith.truncf %convert_element_type3A_500 : vector<1024x1024xf32> to vector<1024x1024xbf16>
      %swap3A_502 = arith.constant 0 : index
      %swap3A_503 = arith.constant 0 : index
      %swap3A_504 = vector.load %arg6[%swap3A_502, %swap3A_503] : memref<1024x1024xbf16, #tpu.memory_space<vmem>>, vector<1024x1024xbf16>
      tpu.vector_store %arg6[%swap3A_502, %swap3A_503], %convert_element_type3A_501 {strides = array<i32>} : memref<1024x1024xbf16, #tpu.memory_space<vmem>>, vector<1024x1024xbf16>,
    } else {
    }
    %get3A = arith.constant 0 : index
    %get3A_2 = arith.constant 0 : index
    %get3A_3 = arith.constant 0 : index
    %get3A_4 = vector.load %arg1[%get3A, %get3A_2, %get3A_3] : memref<1x1024x192xf32, #tpu.memory_space<vmem>>, vector<1x1024x192xf32>
    %get3A_5 = vector.shape_cast %get3A_4 : vector<1x1024x192xf32> to vector<1024x192xf32>
    %iota3A = tpu.iota {dimensions = array<i32: 0>} : vector<192x16xi32>
    %iota3A_6 = tpu.iota {dimensions = array<i32: 1>} : vector<192x16xi32>
    %jit3A = arith.constant 12 : i32
    %div3A = vector.broadcast %jit3A : i32 to vector<192x16xi32>
    %div3A_7 = arith.divsi %iota3A, %div3A : vector<192x16xi32>
    %sign3A = arith.constant 0 : i32
    %sign3A_8 = vector.broadcast %sign3A : i32 to vector<192x16xi32>
    %sign3A_9 = arith.cmpi sgt, %iota3A, %sign3A_8 : vector<192x16xi32>
    %sign3A_10 = arith.extui %sign3A_9 : vector<192x16xi1> to vector<192x16xi32>
    %sign3A_11 = arith.constant 0 : i32
    %sign3A_12 = vector.broadcast %sign3A_11 : i32 to vector<192x16xi32>
    %sign3A_13 = arith.cmpi slt, %iota3A, %sign3A_12 : vector<192x16xi32>
    %sign3A_14 = arith.extui %sign3A_13 : vector<192x16xi1> to vector<192x16xi32>
    %sign3A_15 = arith.subi %sign3A_10, %sign3A_14 : vector<192x16xi32>
    %sign3A_16 = arith.constant 0 : i32
    %sign3A_17 = arith.cmpi sgt, %jit3A, %sign3A_16 : i32
    %sign3A_18 = arith.extui %sign3A_17 : i1 to i32
    %sign3A_19 = arith.constant 0 : i32
    %sign3A_20 = arith.cmpi slt, %jit3A, %sign3A_19 : i32
    %sign3A_21 = arith.extui %sign3A_20 : i1 to i32
    %sign3A_22 = arith.subi %sign3A_18, %sign3A_21 : i32
    %ne3A = vector.broadcast %sign3A_22 : i32 to vector<192x16xi32>
    %ne3A_23 = arith.cmpi ne, %sign3A_15, %ne3A : vector<192x16xi32>
    %rem3A = vector.broadcast %jit3A : i32 to vector<192x16xi32>
    %rem3A_24 = arith.remsi %iota3A, %rem3A : vector<192x16xi32>
    %ne3A_25 = arith.constant 0 : i32
    %ne3A_26 = vector.broadcast %ne3A_25 : i32 to vector<192x16xi32>
    %ne3A_27 = arith.cmpi ne, %rem3A_24, %ne3A_26 : vector<192x16xi32>
    %and3A = arith.andi %ne3A_23, %ne3A_27 : vector<192x16xi1>
    %sub3A = arith.constant 1 : i32
    %sub3A_28 = vector.broadcast %sub3A : i32 to vector<192x16xi32>
    %sub3A_29 = arith.subi %div3A_7, %sub3A_28 : vector<192x16xi32>
    %select_n3A = arith.select %and3A, %sub3A_29, %div3A_7 : vector<192x16xi1>, vector<192x16xi32>
    %eq3A_30 = arith.cmpi eq, %select_n3A, %iota3A_6 : vector<192x16xi32>
    %jit3A_31 = arith.constant 1.000000e+00 : f32
    %jit3A_32 = arith.constant 0.000000e+00 : f32
    %broadcast_in_dim3A = vector.broadcast %jit3A_31 : f32 to vector<192x16xf32>
    %broadcast_in_dim3A_33 = vector.broadcast %jit3A_32 : f32 to vector<192x16xf32>
    %select_n3A_34 = arith.select %eq3A_30, %broadcast_in_dim3A, %broadcast_in_dim3A_33 : vector<192x16xi1>, vector<192x16xf32>
    %dot_general3A = arith.constant dense<0.000000e+00> : vector<1024x16xf32>
    %dot_general3A_35 = tpu.matmul %get3A_5, %select_n3A_34, %dot_general3A {dimension_numbers = #tpu.dot_dimension_numbers<[1], [0], [0], [1], [0, 0, 1, 1], [], []>, precision = #tpu.contract_precision<fp32>, transpose_lhs_hint = false} : vector<1024x192xf32>, vector<192x16xf32>, vector<1024x16xf32> -> vector<1024x16xf32>
    %mul3A = arith.mulf %get3A_5, %get3A_5 : vector<1024x192xf32>
    %dot_general3A_36 = arith.constant dense<0.000000e+00> : vector<1024x16xf32>
    %dot_general3A_37 = tpu.matmul %mul3A, %select_n3A_34, %dot_general3A_36 {dimension_numbers = #tpu.dot_dimension_numbers<[1], [0], [0], [1], [0, 0, 1, 1], [], []>, precision = #tpu.contract_precision<fp32>, transpose_lhs_hint = false} : vector<1024x192xf32>, vector<192x16xf32>, vector<1024x16xf32> -> vector<1024x16xf32>
    %mul3A_38 = arith.constant 0.0833333358 : f32
    %mul3A_39 = vector.broadcast %mul3A_38 : f32 to vector<1024x16xf32>
    %mul3A_40 = arith.mulf %dot_general3A_35, %mul3A_39 : vector<1024x16xf32>
    %mul3A_41 = arith.mulf %dot_general3A_35, %mul3A_40 : vector<1024x16xf32>
    %sub3A_42 = arith.subf %dot_general3A_37, %mul3A_41 : vector<1024x16xf32>
    %mul3A_43 = arith.constant 0.0909090936 : f32
    %mul3A_44 = vector.broadcast %mul3A_43 : f32 to vector<1024x16xf32>
    %mul3A_45 = arith.mulf %sub3A_42, %mul3A_44 : vector<1024x16xf32>
    %max3A = arith.constant 0.000000e+00 : f32
    %max3A_46 = vector.broadcast %max3A : f32 to vector<1024x16xf32>
    %max3A_47 = arith.maximumf %mul3A_45, %max3A_46 : vector<1024x16xf32>
    %sqrt3A = math.sqrt %max3A_47 : vector<1024x16xf32>
    %add3A = arith.constant 9.99999997E-7 : f32
    %add3A_48 = vector.broadcast %add3A : f32 to vector<1024x16xf32>
    %add3A_49 = arith.addf %mul3A_40, %add3A_48 : vector<1024x16xf32>
    %div3A_50 = arith.divf %sqrt3A, %add3A_49 : vector<1024x16xf32>
    %transpose3A = tpu.transpose %div3A_50, [1, 0] : vector<1024x16xf32> -> vector<16x1024xf32>
    %bitcast_convert_type3A = tpu.bitcast %transpose3A : vector<16x1024xf32> -> vector<16x1024xi32>
    %concatenate3A = tpu.concatenate %bitcast_convert_type3A, %bitcast_convert_type3A in 0 : vector<16x1024xi32>, vector<16x1024xi32> -> vector<32x1024xi32>
    %iota3A_51 = tpu.iota {dimensions = array<i32: 0>} : vector<32x1xi32>
    %lt3A = arith.constant 16 : i32
    %lt3A_52 = vector.broadcast %lt3A : i32 to vector<32x1xi32>
    %lt3A_53 = arith.cmpi slt, %iota3A_51, %lt3A_52 : vector<32x1xi32>
    %jit3A_54 = arith.constant 512 : i32
    %jit3A_55 = arith.constant 409 : i32
    %broadcast_in_dim3A_56 = vector.broadcast %jit3A_54 : i32 to vector<32x1xi32>
    %broadcast_in_dim3A_57 = vector.broadcast %jit3A_55 : i32 to vector<32x1xi32>
    %select_n3A_58 = arith.select %lt3A_53, %broadcast_in_dim3A_56, %broadcast_in_dim3A_57 : vector<32x1xi1>, vector<32x1xi32>
    %broadcast_in_dim3A_59 = arith.constant 0 : i32
    %broadcast_in_dim3A_60 = vector.broadcast %broadcast_in_dim3A_59 : i32 to vector<32x1xi32>
    %or3A = arith.constant 1073741824 : i32
    %or3A_61 = vector.broadcast %or3A : i32 to vector<32x1xi32>
    %or3A_62 = arith.ori %broadcast_in_dim3A_60, %or3A_61 : vector<32x1xi32>
    %ge3A = vector.broadcast %or3A_62 : vector<32x1xi32> to vector<32x1024xi32>
    %ge3A_63 = arith.cmpi sge, %concatenate3A, %ge3A : vector<32x1024xi32>
    %convert_element_type3A_64 = arith.extui %ge3A_63 : vector<32x1024xi1> to vector<32x1024xi32>
    %reduce_sum3A = arith.constant dense<0> : vector<32xi32>
    %reduce_sum3A_65 = vector.multi_reduction <add>, %convert_element_type3A_64, %reduce_sum3A [1] : vector<32x1024xi32> to vector<32xi32>
    %broadcast_in_dim3A_66 = vector.shape_cast %reduce_sum3A_65 : vector<32xi32> to vector<32x1xi32>
    %ge3A_67 = arith.cmpi sge, %broadcast_in_dim3A_66, %select_n3A_58 : vector<32x1xi32>
    %select_n3A_68 = arith.select %ge3A_67, %or3A_62, %broadcast_in_dim3A_60 : vector<32x1xi1>, vector<32x1xi32>
    %or3A_69 = arith.constant 536870912 : i32
    %or3A_70 = vector.broadcast %or3A_69 : i32 to vector<32x1xi32>
    %or3A_71 = arith.ori %select_n3A_68, %or3A_70 : vector<32x1xi32>
    %ge3A_72 = vector.broadcast %or3A_71 : vector<32x1xi32> to vector<32x1024xi32>
    %ge3A_73 = arith.cmpi sge, %concatenate3A, %ge3A_72 : vector<32x1024xi32>
    %convert_element_type3A_74 = arith.extui %ge3A_73 : vector<32x1024xi1> to vector<32x1024xi32>
    %reduce_sum3A_75 = arith.constant dense<0> : vector<32xi32>
    %reduce_sum3A_76 = vector.multi_reduction <add>, %convert_element_type3A_74, %reduce_sum3A_75 [1] : vector<32x1024xi32> to vector<32xi32>
    %broadcast_in_dim3A_77 = vector.shape_cast %reduce_sum3A_76 : vector<32xi32> to vector<32x1xi32>
    %ge3A_78 = arith.cmpi sge, %broadcast_in_dim3A_77, %select_n3A_58 : vector<32x1xi32>
    %select_n3A_79 = arith.select %ge3A_78, %or3A_71, %select_n3A_68 : vector<32x1xi1>, vector<32x1xi32>
    %or3A_80 = arith.constant 268435456 : i32
    %or3A_81 = vector.broadcast %or3A_80 : i32 to vector<32x1xi32>
    %or3A_82 = arith.ori %select_n3A_79, %or3A_81 : vector<32x1xi32>
    %ge3A_83 = vector.broadcast %or3A_82 : vector<32x1xi32> to vector<32x1024xi32>
    %ge3A_84 = arith.cmpi sge, %concatenate3A, %ge3A_83 : vector<32x1024xi32>
    %convert_element_type3A_85 = arith.extui %ge3A_84 : vector<32x1024xi1> to vector<32x1024xi32>
    %reduce_sum3A_86 = arith.constant dense<0> : vector<32xi32>
    %reduce_sum3A_87 = vector.multi_reduction <add>, %convert_element_type3A_85, %reduce_sum3A_86 [1] : vector<32x1024xi32> to vector<32xi32>
    %broadcast_in_dim3A_88 = vector.shape_cast %reduce_sum3A_87 : vector<32xi32> to vector<32x1xi32>
    %ge3A_89 = arith.cmpi sge, %broadcast_in_dim3A_88, %select_n3A_58 : vector<32x1xi32>
    %select_n3A_90 = arith.select %ge3A_89, %or3A_82, %select_n3A_79 : vector<32x1xi1>, vector<32x1xi32>
    %or3A_91 = arith.constant 134217728 : i32
    %or3A_92 = vector.broadcast %or3A_91 : i32 to vector<32x1xi32>
    %or3A_93 = arith.ori %select_n3A_90, %or3A_92 : vector<32x1xi32>
    %ge3A_94 = vector.broadcast %or3A_93 : vector<32x1xi32> to vector<32x1024xi32>
    %ge3A_95 = arith.cmpi sge, %concatenate3A, %ge3A_94 : vector<32x1024xi32>
    %convert_element_type3A_96 = arith.extui %ge3A_95 : vector<32x1024xi1> to vector<32x1024xi32>
    %reduce_sum3A_97 = arith.constant dense<0> : vector<32xi32>
    %reduce_sum3A_98 = vector.multi_reduction <add>, %convert_element_type3A_96, %reduce_sum3A_97 [1] : vector<32x1024xi32> to vector<32xi32>
    %broadcast_in_dim3A_99 = vector.shape_cast %reduce_sum3A_98 : vector<32xi32> to vector<32x1xi32>
    %ge3A_100 = arith.cmpi sge, %broadcast_in_dim3A_99, %select_n3A_58 : vector<32x1xi32>
    %select_n3A_101 = arith.select %ge3A_100, %or3A_93, %select_n3A_90 : vector<32x1xi1>, vector<32x1xi32>
    %or3A_102 = arith.constant 67108864 : i32
    %or3A_103 = vector.broadcast %or3A_102 : i32 to vector<32x1xi32>
    %or3A_104 = arith.ori %select_n3A_101, %or3A_103 : vector<32x1xi32>
    %ge3A_105 = vector.broadcast %or3A_104 : vector<32x1xi32> to vector<32x1024xi32>
    %ge3A_106 = arith.cmpi sge, %concatenate3A, %ge3A_105 : vector<32x1024xi32>
    %convert_element_type3A_107 = arith.extui %ge3A_106 : vector<32x1024xi1> to vector<32x1024xi32>
    %reduce_sum3A_108 = arith.constant dense<0> : vector<32xi32>
    %reduce_sum3A_109 = vector.multi_reduction <add>, %convert_element_type3A_107, %reduce_sum3A_108 [1] : vector<32x1024xi32> to vector<32xi32>
    %broadcast_in_dim3A_110 = vector.shape_cast %reduce_sum3A_109 : vector<32xi32> to vector<32x1xi32>
    %ge3A_111 = arith.cmpi sge, %broadcast_in_dim3A_110, %select_n3A_58 : vector<32x1xi32>
    %select_n3A_112 = arith.select %ge3A_111, %or3A_104, %select_n3A_101 : vector<32x1xi1>, vector<32x1xi32>
    %or3A_113 = arith.constant 33554432 : i32
    %or3A_114 = vector.broadcast %or3A_113 : i32 to vector<32x1xi32>
    %or3A_115 = arith.ori %select_n3A_112, %or3A_114 : vector<32x1xi32>
    %ge3A_116 = vector.broadcast %or3A_115 : vector<32x1xi32> to vector<32x1024xi32>
    %ge3A_117 = arith.cmpi sge, %concatenate3A, %ge3A_116 : vector<32x1024xi32>
    %convert_element_type3A_118 = arith.extui %ge3A_117 : vector<32x1024xi1> to vector<32x1024xi32>
    %reduce_sum3A_119 = arith.constant dense<0> : vector<32xi32>
    %reduce_sum3A_120 = vector.multi_reduction <add>, %convert_element_type3A_118, %reduce_sum3A_119 [1] : vector<32x1024xi32> to vector<32xi32>
    %broadcast_in_dim3A_121 = vector.shape_cast %reduce_sum3A_120 : vector<32xi32> to vector<32x1xi32>
    %ge3A_122 = arith.cmpi sge, %broadcast_in_dim3A_121, %select_n3A_58 : vector<32x1xi32>
    %select_n3A_123 = arith.select %ge3A_122, %or3A_115, %select_n3A_112 : vector<32x1xi1>, vector<32x1xi32>
    %or3A_124 = arith.constant 16777216 : i32
    %or3A_125 = vector.broadcast %or3A_124 : i32 to vector<32x1xi32>
    %or3A_126 = arith.ori %select_n3A_123, %or3A_125 : vector<32x1xi32>
    %ge3A_127 = vector.broadcast %or3A_126 : vector<32x1xi32> to vector<32x1024xi32>
    %ge3A_128 = arith.cmpi sge, %concatenate3A, %ge3A_127 : vector<32x1024xi32>
    %convert_element_type3A_129 = arith.extui %ge3A_128 : vector<32x1024xi1> to vector<32x1024xi32>
    %reduce_sum3A_130 = arith.constant dense<0> : vector<32xi32>
    %reduce_sum3A_131 = vector.multi_reduction <add>, %convert_element_type3A_129, %reduce_sum3A_130 [1] : vector<32x1024xi32> to vector<32xi32>
    %broadcast_in_dim3A_132 = vector.shape_cast %reduce_sum3A_131 : vector<32xi32> to vector<32x1xi32>
    %ge3A_133 = arith.cmpi sge, %broadcast_in_dim3A_132, %select_n3A_58 : vector<32x1xi32>
    %select_n3A_134 = arith.select %ge3A_133, %or3A_126, %select_n3A_123 : vector<32x1xi1>, vector<32x1xi32>
    %or3A_135 = arith.constant 8388608 : i32
    %or3A_136 = vector.broadcast %or3A_135 : i32 to vector<32x1xi32>
    %or3A_137 = arith.ori %select_n3A_134, %or3A_136 : vector<32x1xi32>
    %ge3A_138 = vector.broadcast %or3A_137 : vector<32x1xi32> to vector<32x1024xi32>
    %ge3A_139 = arith.cmpi sge, %concatenate3A, %ge3A_138 : vector<32x1024xi32>
    %convert_element_type3A_140 = arith.extui %ge3A_139 : vector<32x1024xi1> to vector<32x1024xi32>
    %reduce_sum3A_141 = arith.constant dense<0> : vector<32xi32>
    %reduce_sum3A_142 = vector.multi_reduction <add>, %convert_element_type3A_140, %reduce_sum3A_141 [1] : vector<32x1024xi32> to vector<32xi32>
    %broadcast_in_dim3A_143 = vector.shape_cast %reduce_sum3A_142 : vector<32xi32> to vector<32x1xi32>
    %ge3A_144 = arith.cmpi sge, %broadcast_in_dim3A_143, %select_n3A_58 : vector<32x1xi32>
    %select_n3A_145 = arith.select %ge3A_144, %or3A_137, %select_n3A_134 : vector<32x1xi1>, vector<32x1xi32>
    %or3A_146 = arith.constant 4194304 : i32
    %or3A_147 = vector.broadcast %or3A_146 : i32 to vector<32x1xi32>
    %or3A_148 = arith.ori %select_n3A_145, %or3A_147 : vector<32x1xi32>
    %ge3A_149 = vector.broadcast %or3A_148 : vector<32x1xi32> to vector<32x1024xi32>
    %ge3A_150 = arith.cmpi sge, %concatenate3A, %ge3A_149 : vector<32x1024xi32>
    %convert_element_type3A_151 = arith.extui %ge3A_150 : vector<32x1024xi1> to vector<32x1024xi32>
    %reduce_sum3A_152 = arith.constant dense<0> : vector<32xi32>
    %reduce_sum3A_153 = vector.multi_reduction <add>, %convert_element_type3A_151, %reduce_sum3A_152 [1] : vector<32x1024xi32> to vector<32xi32>
    %broadcast_in_dim3A_154 = vector.shape_cast %reduce_sum3A_153 : vector<32xi32> to vector<32x1xi32>
    %ge3A_155 = arith.cmpi sge, %broadcast_in_dim3A_154, %select_n3A_58 : vector<32x1xi32>
    %select_n3A_156 = arith.select %ge3A_155, %or3A_148, %select_n3A_145 : vector<32x1xi1>, vector<32x1xi32>
    %or3A_157 = arith.constant 2097152 : i32
    %or3A_158 = vector.broadcast %or3A_157 : i32 to vector<32x1xi32>
    %or3A_159 = arith.ori %select_n3A_156, %or3A_158 : vector<32x1xi32>
    %ge3A_160 = vector.broadcast %or3A_159 : vector<32x1xi32> to vector<32x1024xi32>
    %ge3A_161 = arith.cmpi sge, %concatenate3A, %ge3A_160 : vector<32x1024xi32>
    %convert_element_type3A_162 = arith.extui %ge3A_161 : vector<32x1024xi1> to vector<32x1024xi32>
    %reduce_sum3A_163 = arith.constant dense<0> : vector<32xi32>
    %reduce_sum3A_164 = vector.multi_reduction <add>, %convert_element_type3A_162, %reduce_sum3A_163 [1] : vector<32x1024xi32> to vector<32xi32>
    %broadcast_in_dim3A_165 = vector.shape_cast %reduce_sum3A_164 : vector<32xi32> to vector<32x1xi32>
    %ge3A_166 = arith.cmpi sge, %broadcast_in_dim3A_165, %select_n3A_58 : vector<32x1xi32>
    %select_n3A_167 = arith.select %ge3A_166, %or3A_159, %select_n3A_156 : vector<32x1xi1>, vector<32x1xi32>
    %or3A_168 = arith.constant 1048576 : i32
    %or3A_169 = vector.broadcast %or3A_168 : i32 to vector<32x1xi32>
    %or3A_170 = arith.ori %select_n3A_167, %or3A_169 : vector<32x1xi32>
    %ge3A_171 = vector.broadcast %or3A_170 : vector<32x1xi32> to vector<32x1024xi32>
    %ge3A_172 = arith.cmpi sge, %concatenate3A, %ge3A_171 : vector<32x1024xi32>
    %convert_element_type3A_173 = arith.extui %ge3A_172 : vector<32x1024xi1> to vector<32x1024xi32>
    %reduce_sum3A_174 = arith.constant dense<0> : vector<32xi32>
    %reduce_sum3A_175 = vector.multi_reduction <add>, %convert_element_type3A_173, %reduce_sum3A_174 [1] : vector<32x1024xi32> to vector<32xi32>
    %broadcast_in_dim3A_176 = vector.shape_cast %reduce_sum3A_175 : vector<32xi32> to vector<32x1xi32>
    %ge3A_177 = arith.cmpi sge, %broadcast_in_dim3A_176, %select_n3A_58 : vector<32x1xi32>
    %select_n3A_178 = arith.select %ge3A_177, %or3A_170, %select_n3A_167 : vector<32x1xi1>, vector<32x1xi32>
    %or3A_179 = arith.constant 524288 : i32
    %or3A_180 = vector.broadcast %or3A_179 : i32 to vector<32x1xi32>
    %or3A_181 = arith.ori %select_n3A_178, %or3A_180 : vector<32x1xi32>
    %ge3A_182 = vector.broadcast %or3A_181 : vector<32x1xi32> to vector<32x1024xi32>
    %ge3A_183 = arith.cmpi sge, %concatenate3A, %ge3A_182 : vector<32x1024xi32>
    %convert_element_type3A_184 = arith.extui %ge3A_183 : vector<32x1024xi1> to vector<32x1024xi32>
    %reduce_sum3A_185 = arith.constant dense<0> : vector<32xi32>
    %reduce_sum3A_186 = vector.multi_reduction <add>, %convert_element_type3A_184, %reduce_sum3A_185 [1] : vector<32x1024xi32> to vector<32xi32>
    %broadcast_in_dim3A_187 = vector.shape_cast %reduce_sum3A_186 : vector<32xi32> to vector<32x1xi32>
    %ge3A_188 = arith.cmpi sge, %broadcast_in_dim3A_187, %select_n3A_58 : vector<32x1xi32>
    %select_n3A_189 = arith.select %ge3A_188, %or3A_181, %select_n3A_178 : vector<32x1xi1>, vector<32x1xi32>
    %or3A_190 = arith.constant 262144 : i32
    %or3A_191 = vector.broadcast %or3A_190 : i32 to vector<32x1xi32>
    %or3A_192 = arith.ori %select_n3A_189, %or3A_191 : vector<32x1xi32>
    %ge3A_193 = vector.broadcast %or3A_192 : vector<32x1xi32> to vector<32x1024xi32>
    %ge3A_194 = arith.cmpi sge, %concatenate3A, %ge3A_193 : vector<32x1024xi32>
    %convert_element_type3A_195 = arith.extui %ge3A_194 : vector<32x1024xi1> to vector<32x1024xi32>
    %reduce_sum3A_196 = arith.constant dense<0> : vector<32xi32>
    %reduce_sum3A_197 = vector.multi_reduction <add>, %convert_element_type3A_195, %reduce_sum3A_196 [1] : vector<32x1024xi32> to vector<32xi32>
    %broadcast_in_dim3A_198 = vector.shape_cast %reduce_sum3A_197 : vector<32xi32> to vector<32x1xi32>
    %ge3A_199 = arith.cmpi sge, %broadcast_in_dim3A_198, %select_n3A_58 : vector<32x1xi32>
    %select_n3A_200 = arith.select %ge3A_199, %or3A_192, %select_n3A_189 : vector<32x1xi1>, vector<32x1xi32>
    %or3A_201 = arith.constant 131072 : i32
    %or3A_202 = vector.broadcast %or3A_201 : i32 to vector<32x1xi32>
    %or3A_203 = arith.ori %select_n3A_200, %or3A_202 : vector<32x1xi32>
    %ge3A_204 = vector.broadcast %or3A_203 : vector<32x1xi32> to vector<32x1024xi32>
    %ge3A_205 = arith.cmpi sge, %concatenate3A, %ge3A_204 : vector<32x1024xi32>
    %convert_element_type3A_206 = arith.extui %ge3A_205 : vector<32x1024xi1> to vector<32x1024xi32>
    %reduce_sum3A_207 = arith.constant dense<0> : vector<32xi32>
    %reduce_sum3A_208 = vector.multi_reduction <add>, %convert_element_type3A_206, %reduce_sum3A_207 [1] : vector<32x1024xi32> to vector<32xi32>
    %broadcast_in_dim3A_209 = vector.shape_cast %reduce_sum3A_208 : vector<32xi32> to vector<32x1xi32>
    %ge3A_210 = arith.cmpi sge, %broadcast_in_dim3A_209, %select_n3A_58 : vector<32x1xi32>
    %select_n3A_211 = arith.select %ge3A_210, %or3A_203, %select_n3A_200 : vector<32x1xi1>, vector<32x1xi32>
    %or3A_212 = arith.constant 65536 : i32
    %or3A_213 = vector.broadcast %or3A_212 : i32 to vector<32x1xi32>
    %or3A_214 = arith.ori %select_n3A_211, %or3A_213 : vector<32x1xi32>
    %ge3A_215 = vector.broadcast %or3A_214 : vector<32x1xi32> to vector<32x1024xi32>
    %ge3A_216 = arith.cmpi sge, %concatenate3A, %ge3A_215 : vector<32x1024xi32>
    %convert_element_type3A_217 = arith.extui %ge3A_216 : vector<32x1024xi1> to vector<32x1024xi32>
    %reduce_sum3A_218 = arith.constant dense<0> : vector<32xi32>
    %reduce_sum3A_219 = vector.multi_reduction <add>, %convert_element_type3A_217, %reduce_sum3A_218 [1] : vector<32x1024xi32> to vector<32xi32>
    %broadcast_in_dim3A_220 = vector.shape_cast %reduce_sum3A_219 : vector<32xi32> to vector<32x1xi32>
    %ge3A_221 = arith.cmpi sge, %broadcast_in_dim3A_220, %select_n3A_58 : vector<32x1xi32>
    %select_n3A_222 = arith.select %ge3A_221, %or3A_214, %select_n3A_211 : vector<32x1xi1>, vector<32x1xi32>
    %or3A_223 = arith.constant 32768 : i32
    %or3A_224 = vector.broadcast %or3A_223 : i32 to vector<32x1xi32>
    %or3A_225 = arith.ori %select_n3A_222, %or3A_224 : vector<32x1xi32>
    %ge3A_226 = vector.broadcast %or3A_225 : vector<32x1xi32> to vector<32x1024xi32>
    %ge3A_227 = arith.cmpi sge, %concatenate3A, %ge3A_226 : vector<32x1024xi32>
    %convert_element_type3A_228 = arith.extui %ge3A_227 : vector<32x1024xi1> to vector<32x1024xi32>
    %reduce_sum3A_229 = arith.constant dense<0> : vector<32xi32>
    %reduce_sum3A_230 = vector.multi_reduction <add>, %convert_element_type3A_228, %reduce_sum3A_229 [1] : vector<32x1024xi32> to vector<32xi32>
    %broadcast_in_dim3A_231 = vector.shape_cast %reduce_sum3A_230 : vector<32xi32> to vector<32x1xi32>
    %ge3A_232 = arith.cmpi sge, %broadcast_in_dim3A_231, %select_n3A_58 : vector<32x1xi32>
    %select_n3A_233 = arith.select %ge3A_232, %or3A_225, %select_n3A_222 : vector<32x1xi1>, vector<32x1xi32>
    %or3A_234 = arith.constant 16384 : i32
    %or3A_235 = vector.broadcast %or3A_234 : i32 to vector<32x1xi32>
    %or3A_236 = arith.ori %select_n3A_233, %or3A_235 : vector<32x1xi32>
    %ge3A_237 = vector.broadcast %or3A_236 : vector<32x1xi32> to vector<32x1024xi32>
    %ge3A_238 = arith.cmpi sge, %concatenate3A, %ge3A_237 : vector<32x1024xi32>
    %convert_element_type3A_239 = arith.extui %ge3A_238 : vector<32x1024xi1> to vector<32x1024xi32>
    %reduce_sum3A_240 = arith.constant dense<0> : vector<32xi32>
    %reduce_sum3A_241 = vector.multi_reduction <add>, %convert_element_type3A_239, %reduce_sum3A_240 [1] : vector<32x1024xi32> to vector<32xi32>
    %broadcast_in_dim3A_242 = vector.shape_cast %reduce_sum3A_241 : vector<32xi32> to vector<32x1xi32>
    %ge3A_243 = arith.cmpi sge, %broadcast_in_dim3A_242, %select_n3A_58 : vector<32x1xi32>
    %select_n3A_244 = arith.select %ge3A_243, %or3A_236, %select_n3A_233 : vector<32x1xi1>, vector<32x1xi32>
    %or3A_245 = arith.constant 8192 : i32
    %or3A_246 = vector.broadcast %or3A_245 : i32 to vector<32x1xi32>
    %or3A_247 = arith.ori %select_n3A_244, %or3A_246 : vector<32x1xi32>
    %ge3A_248 = vector.broadcast %or3A_247 : vector<32x1xi32> to vector<32x1024xi32>
    %ge3A_249 = arith.cmpi sge, %concatenate3A, %ge3A_248 : vector<32x1024xi32>
    %convert_element_type3A_250 = arith.extui %ge3A_249 : vector<32x1024xi1> to vector<32x1024xi32>
    %reduce_sum3A_251 = arith.constant dense<0> : vector<32xi32>
    %reduce_sum3A_252 = vector.multi_reduction <add>, %convert_element_type3A_250, %reduce_sum3A_251 [1] : vector<32x1024xi32> to vector<32xi32>
    %broadcast_in_dim3A_253 = vector.shape_cast %reduce_sum3A_252 : vector<32xi32> to vector<32x1xi32>
    %ge3A_254 = arith.cmpi sge, %broadcast_in_dim3A_253, %select_n3A_58 : vector<32x1xi32>
    %select_n3A_255 = arith.select %ge3A_254, %or3A_247, %select_n3A_244 : vector<32x1xi1>, vector<32x1xi32>
    %or3A_256 = arith.constant 4096 : i32
    %or3A_257 = vector.broadcast %or3A_256 : i32 to vector<32x1xi32>
    %or3A_258 = arith.ori %select_n3A_255, %or3A_257 : vector<32x1xi32>
    %ge3A_259 = vector.broadcast %or3A_258 : vector<32x1xi32> to vector<32x1024xi32>
    %ge3A_260 = arith.cmpi sge, %concatenate3A, %ge3A_259 : vector<32x1024xi32>
    %convert_element_type3A_261 = arith.extui %ge3A_260 : vector<32x1024xi1> to vector<32x1024xi32>
    %reduce_sum3A_262 = arith.constant dense<0> : vector<32xi32>
    %reduce_sum3A_263 = vector.multi_reduction <add>, %convert_element_type3A_261, %reduce_sum3A_262 [1] : vector<32x1024xi32> to vector<32xi32>
    %broadcast_in_dim3A_264 = vector.shape_cast %reduce_sum3A_263 : vector<32xi32> to vector<32x1xi32>
    %ge3A_265 = arith.cmpi sge, %broadcast_in_dim3A_264, %select_n3A_58 : vector<32x1xi32>
    %select_n3A_266 = arith.select %ge3A_265, %or3A_258, %select_n3A_255 : vector<32x1xi1>, vector<32x1xi32>
    %or3A_267 = arith.constant 2048 : i32
    %or3A_268 = vector.broadcast %or3A_267 : i32 to vector<32x1xi32>
    %or3A_269 = arith.ori %select_n3A_266, %or3A_268 : vector<32x1xi32>
    %ge3A_270 = vector.broadcast %or3A_269 : vector<32x1xi32> to vector<32x1024xi32>
    %ge3A_271 = arith.cmpi sge, %concatenate3A, %ge3A_270 : vector<32x1024xi32>
    %convert_element_type3A_272 = arith.extui %ge3A_271 : vector<32x1024xi1> to vector<32x1024xi32>
    %reduce_sum3A_273 = arith.constant dense<0> : vector<32xi32>
    %reduce_sum3A_274 = vector.multi_reduction <add>, %convert_element_type3A_272, %reduce_sum3A_273 [1] : vector<32x1024xi32> to vector<32xi32>
    %broadcast_in_dim3A_275 = vector.shape_cast %reduce_sum3A_274 : vector<32xi32> to vector<32x1xi32>
    %ge3A_276 = arith.cmpi sge, %broadcast_in_dim3A_275, %select_n3A_58 : vector<32x1xi32>
    %select_n3A_277 = arith.select %ge3A_276, %or3A_269, %select_n3A_266 : vector<32x1xi1>, vector<32x1xi32>
    %or3A_278 = arith.constant 1024 : i32
    %or3A_279 = vector.broadcast %or3A_278 : i32 to vector<32x1xi32>
    %or3A_280 = arith.ori %select_n3A_277, %or3A_279 : vector<32x1xi32>
    %ge3A_281 = vector.broadcast %or3A_280 : vector<32x1xi32> to vector<32x1024xi32>
    %ge3A_282 = arith.cmpi sge, %concatenate3A, %ge3A_281 : vector<32x1024xi32>
    %convert_element_type3A_283 = arith.extui %ge3A_282 : vector<32x1024xi1> to vector<32x1024xi32>
    %reduce_sum3A_284 = arith.constant dense<0> : vector<32xi32>
    %reduce_sum3A_285 = vector.multi_reduction <add>, %convert_element_type3A_283, %reduce_sum3A_284 [1] : vector<32x1024xi32> to vector<32xi32>
    %broadcast_in_dim3A_286 = vector.shape_cast %reduce_sum3A_285 : vector<32xi32> to vector<32x1xi32>
    %ge3A_287 = arith.cmpi sge, %broadcast_in_dim3A_286, %select_n3A_58 : vector<32x1xi32>
    %select_n3A_288 = arith.select %ge3A_287, %or3A_280, %select_n3A_277 : vector<32x1xi1>, vector<32x1xi32>
    %or3A_289 = arith.constant 512 : i32
    %or3A_290 = vector.broadcast %or3A_289 : i32 to vector<32x1xi32>
    %or3A_291 = arith.ori %select_n3A_288, %or3A_290 : vector<32x1xi32>
    %ge3A_292 = vector.broadcast %or3A_291 : vector<32x1xi32> to vector<32x1024xi32>
    %ge3A_293 = arith.cmpi sge, %concatenate3A, %ge3A_292 : vector<32x1024xi32>
    %convert_element_type3A_294 = arith.extui %ge3A_293 : vector<32x1024xi1> to vector<32x1024xi32>
    %reduce_sum3A_295 = arith.constant dense<0> : vector<32xi32>
    %reduce_sum3A_296 = vector.multi_reduction <add>, %convert_element_type3A_294, %reduce_sum3A_295 [1] : vector<32x1024xi32> to vector<32xi32>
    %broadcast_in_dim3A_297 = vector.shape_cast %reduce_sum3A_296 : vector<32xi32> to vector<32x1xi32>
    %ge3A_298 = arith.cmpi sge, %broadcast_in_dim3A_297, %select_n3A_58 : vector<32x1xi32>
    %select_n3A_299 = arith.select %ge3A_298, %or3A_291, %select_n3A_288 : vector<32x1xi1>, vector<32x1xi32>
    %or3A_300 = arith.constant 256 : i32
    %or3A_301 = vector.broadcast %or3A_300 : i32 to vector<32x1xi32>
    %or3A_302 = arith.ori %select_n3A_299, %or3A_301 : vector<32x1xi32>
    %ge3A_303 = vector.broadcast %or3A_302 : vector<32x1xi32> to vector<32x1024xi32>
    %ge3A_304 = arith.cmpi sge, %concatenate3A, %ge3A_303 : vector<32x1024xi32>
    %convert_element_type3A_305 = arith.extui %ge3A_304 : vector<32x1024xi1> to vector<32x1024xi32>
    %reduce_sum3A_306 = arith.constant dense<0> : vector<32xi32>
    %reduce_sum3A_307 = vector.multi_reduction <add>, %convert_element_type3A_305, %reduce_sum3A_306 [1] : vector<32x1024xi32> to vector<32xi32>
    %broadcast_in_dim3A_308 = vector.shape_cast %reduce_sum3A_307 : vector<32xi32> to vector<32x1xi32>
    %ge3A_309 = arith.cmpi sge, %broadcast_in_dim3A_308, %select_n3A_58 : vector<32x1xi32>
    %select_n3A_310 = arith.select %ge3A_309, %or3A_302, %select_n3A_299 : vector<32x1xi1>, vector<32x1xi32>
    %or3A_311 = arith.constant 128 : i32
    %or3A_312 = vector.broadcast %or3A_311 : i32 to vector<32x1xi32>
    %or3A_313 = arith.ori %select_n3A_310, %or3A_312 : vector<32x1xi32>
    %ge3A_314 = vector.broadcast %or3A_313 : vector<32x1xi32> to vector<32x1024xi32>
    %ge3A_315 = arith.cmpi sge, %concatenate3A, %ge3A_314 : vector<32x1024xi32>
    %convert_element_type3A_316 = arith.extui %ge3A_315 : vector<32x1024xi1> to vector<32x1024xi32>
    %reduce_sum3A_317 = arith.constant dense<0> : vector<32xi32>
    %reduce_sum3A_318 = vector.multi_reduction <add>, %convert_element_type3A_316, %reduce_sum3A_317 [1] : vector<32x1024xi32> to vector<32xi32>
    %broadcast_in_dim3A_319 = vector.shape_cast %reduce_sum3A_318 : vector<32xi32> to vector<32x1xi32>
    %ge3A_320 = arith.cmpi sge, %broadcast_in_dim3A_319, %select_n3A_58 : vector<32x1xi32>
    %select_n3A_321 = arith.select %ge3A_320, %or3A_313, %select_n3A_310 : vector<32x1xi1>, vector<32x1xi32>
    %or3A_322 = arith.constant 64 : i32
    %or3A_323 = vector.broadcast %or3A_322 : i32 to vector<32x1xi32>
    %or3A_324 = arith.ori %select_n3A_321, %or3A_323 : vector<32x1xi32>
    %ge3A_325 = vector.broadcast %or3A_324 : vector<32x1xi32> to vector<32x1024xi32>
    %ge3A_326 = arith.cmpi sge, %concatenate3A, %ge3A_325 : vector<32x1024xi32>
    %convert_element_type3A_327 = arith.extui %ge3A_326 : vector<32x1024xi1> to vector<32x1024xi32>
    %reduce_sum3A_328 = arith.constant dense<0> : vector<32xi32>
    %reduce_sum3A_329 = vector.multi_reduction <add>, %convert_element_type3A_327, %reduce_sum3A_328 [1] : vector<32x1024xi32> to vector<32xi32>
    %broadcast_in_dim3A_330 = vector.shape_cast %reduce_sum3A_329 : vector<32xi32> to vector<32x1xi32>
    %ge3A_331 = arith.cmpi sge, %broadcast_in_dim3A_330, %select_n3A_58 : vector<32x1xi32>
    %select_n3A_332 = arith.select %ge3A_331, %or3A_324, %select_n3A_321 : vector<32x1xi1>, vector<32x1xi32>
    %or3A_333 = arith.constant 32 : i32
    %or3A_334 = vector.broadcast %or3A_333 : i32 to vector<32x1xi32>
    %or3A_335 = arith.ori %select_n3A_332, %or3A_334 : vector<32x1xi32>
    %ge3A_336 = vector.broadcast %or3A_335 : vector<32x1xi32> to vector<32x1024xi32>
    %ge3A_337 = arith.cmpi sge, %concatenate3A, %ge3A_336 : vector<32x1024xi32>
    %convert_element_type3A_338 = arith.extui %ge3A_337 : vector<32x1024xi1> to vector<32x1024xi32>
    %reduce_sum3A_339 = arith.constant dense<0> : vector<32xi32>
    %reduce_sum3A_340 = vector.multi_reduction <add>, %convert_element_type3A_338, %reduce_sum3A_339 [1] : vector<32x1024xi32> to vector<32xi32>
    %broadcast_in_dim3A_341 = vector.shape_cast %reduce_sum3A_340 : vector<32xi32> to vector<32x1xi32>
    %ge3A_342 = arith.cmpi sge, %broadcast_in_dim3A_341, %select_n3A_58 : vector<32x1xi32>
    %select_n3A_343 = arith.select %ge3A_342, %or3A_335, %select_n3A_332 : vector<32x1xi1>, vector<32x1xi32>
    %or3A_344 = arith.constant 16 : i32
    %or3A_345 = vector.broadcast %or3A_344 : i32 to vector<32x1xi32>
    %or3A_346 = arith.ori %select_n3A_343, %or3A_345 : vector<32x1xi32>
    %ge3A_347 = vector.broadcast %or3A_346 : vector<32x1xi32> to vector<32x1024xi32>
    %ge3A_348 = arith.cmpi sge, %concatenate3A, %ge3A_347 : vector<32x1024xi32>
    %convert_element_type3A_349 = arith.extui %ge3A_348 : vector<32x1024xi1> to vector<32x1024xi32>
    %reduce_sum3A_350 = arith.constant dense<0> : vector<32xi32>
    %reduce_sum3A_351 = vector.multi_reduction <add>, %convert_element_type3A_349, %reduce_sum3A_350 [1] : vector<32x1024xi32> to vector<32xi32>
    %broadcast_in_dim3A_352 = vector.shape_cast %reduce_sum3A_351 : vector<32xi32> to vector<32x1xi32>
    %ge3A_353 = arith.cmpi sge, %broadcast_in_dim3A_352, %select_n3A_58 : vector<32x1xi32>
    %select_n3A_354 = arith.select %ge3A_353, %or3A_346, %select_n3A_343 : vector<32x1xi1>, vector<32x1xi32>
    %or3A_355 = arith.constant 8 : i32
    %or3A_356 = vector.broadcast %or3A_355 : i32 to vector<32x1xi32>
    %or3A_357 = arith.ori %select_n3A_354, %or3A_356 : vector<32x1xi32>
    %ge3A_358 = vector.broadcast %or3A_357 : vector<32x1xi32> to vector<32x1024xi32>
    %ge3A_359 = arith.cmpi sge, %concatenate3A, %ge3A_358 : vector<32x1024xi32>
    %convert_element_type3A_360 = arith.extui %ge3A_359 : vector<32x1024xi1> to vector<32x1024xi32>
    %reduce_sum3A_361 = arith.constant dense<0> : vector<32xi32>
    %reduce_sum3A_362 = vector.multi_reduction <add>, %convert_element_type3A_360, %reduce_sum3A_361 [1] : vector<32x1024xi32> to vector<32xi32>
    %broadcast_in_dim3A_363 = vector.shape_cast %reduce_sum3A_362 : vector<32xi32> to vector<32x1xi32>
    %ge3A_364 = arith.cmpi sge, %broadcast_in_dim3A_363, %select_n3A_58 : vector<32x1xi32>
    %select_n3A_365 = arith.select %ge3A_364, %or3A_357, %select_n3A_354 : vector<32x1xi1>, vector<32x1xi32>
    %or3A_366 = arith.constant 4 : i32
    %or3A_367 = vector.broadcast %or3A_366 : i32 to vector<32x1xi32>
    %or3A_368 = arith.ori %select_n3A_365, %or3A_367 : vector<32x1xi32>
    %ge3A_369 = vector.broadcast %or3A_368 : vector<32x1xi32> to vector<32x1024xi32>
    %ge3A_370 = arith.cmpi sge, %concatenate3A, %ge3A_369 : vector<32x1024xi32>
    %convert_element_type3A_371 = arith.extui %ge3A_370 : vector<32x1024xi1> to vector<32x1024xi32>
    %reduce_sum3A_372 = arith.constant dense<0> : vector<32xi32>
    %reduce_sum3A_373 = vector.multi_reduction <add>, %convert_element_type3A_371, %reduce_sum3A_372 [1] : vector<32x1024xi32> to vector<32xi32>
    %broadcast_in_dim3A_374 = vector.shape_cast %reduce_sum3A_373 : vector<32xi32> to vector<32x1xi32>
    %ge3A_375 = arith.cmpi sge, %broadcast_in_dim3A_374, %select_n3A_58 : vector<32x1xi32>
    %select_n3A_376 = arith.select %ge3A_375, %or3A_368, %select_n3A_365 : vector<32x1xi1>, vector<32x1xi32>
    %or3A_377 = arith.constant 2 : i32
    %or3A_378 = vector.broadcast %or3A_377 : i32 to vector<32x1xi32>
    %or3A_379 = arith.ori %select_n3A_376, %or3A_378 : vector<32x1xi32>
    %ge3A_380 = vector.broadcast %or3A_379 : vector<32x1xi32> to vector<32x1024xi32>
    %ge3A_381 = arith.cmpi sge, %concatenate3A, %ge3A_380 : vector<32x1024xi32>
    %convert_element_type3A_382 = arith.extui %ge3A_381 : vector<32x1024xi1> to vector<32x1024xi32>
    %reduce_sum3A_383 = arith.constant dense<0> : vector<32xi32>
    %reduce_sum3A_384 = vector.multi_reduction <add>, %convert_element_type3A_382, %reduce_sum3A_383 [1] : vector<32x1024xi32> to vector<32xi32>
    %broadcast_in_dim3A_385 = vector.shape_cast %reduce_sum3A_384 : vector<32xi32> to vector<32x1xi32>
    %ge3A_386 = arith.cmpi sge, %broadcast_in_dim3A_385, %select_n3A_58 : vector<32x1xi32>
    %select_n3A_387 = arith.select %ge3A_386, %or3A_379, %select_n3A_376 : vector<32x1xi1>, vector<32x1xi32>
    %or3A_388 = arith.constant 1 : i32
    %or3A_389 = vector.broadcast %or3A_388 : i32 to vector<32x1xi32>
    %or3A_390 = arith.ori %select_n3A_387, %or3A_389 : vector<32x1xi32>
    %ge3A_391 = vector.broadcast %or3A_390 : vector<32x1xi32> to vector<32x1024xi32>
    %ge3A_392 = arith.cmpi sge, %concatenate3A, %ge3A_391 : vector<32x1024xi32>
    %convert_element_type3A_393 = arith.extui %ge3A_392 : vector<32x1024xi1> to vector<32x1024xi32>
    %reduce_sum3A_394 = arith.constant dense<0> : vector<32xi32>
    %reduce_sum3A_395 = vector.multi_reduction <add>, %convert_element_type3A_393, %reduce_sum3A_394 [1] : vector<32x1024xi32> to vector<32xi32>
    %broadcast_in_dim3A_396 = vector.shape_cast %reduce_sum3A_395 : vector<32xi32> to vector<32x1xi32>
    %ge3A_397 = arith.cmpi sge, %broadcast_in_dim3A_396, %select_n3A_58 : vector<32x1xi32>
    %select_n3A_398 = arith.select %ge3A_397, %or3A_390, %select_n3A_387 : vector<32x1xi1>, vector<32x1xi32>
    %gt3A = vector.broadcast %select_n3A_398 : vector<32x1xi32> to vector<32x1024xi32>
    %gt3A_399 = arith.cmpi sgt, %concatenate3A, %gt3A : vector<32x1024xi32>
    %eq3A_400 = vector.broadcast %select_n3A_398 : vector<32x1xi32> to vector<32x1024xi32>
    %eq3A_401 = arith.cmpi eq, %concatenate3A, %eq3A_400 : vector<32x1024xi32>
    %convert_element_type3A_402 = arith.extui %gt3A_399 : vector<32x1024xi1> to vector<32x1024xi32>
    %reduce_sum3A_403 = arith.constant dense<0> : vector<32xi32>
    %reduce_sum3A_404 = vector.multi_reduction <add>, %convert_element_type3A_402, %reduce_sum3A_403 [1] : vector<32x1024xi32> to vector<32xi32>
    %broadcast_in_dim3A_405 = vector.shape_cast %reduce_sum3A_404 : vector<32xi32> to vector<32x1xi32>
    %sub3A_406 = arith.subi %select_n3A_58, %broadcast_in_dim3A_405 : vector<32x1xi32>
    %convert_element_type3A_407 = arith.sitofp %sub3A_406 : vector<32x1xi32> to vector<32x1xf32>
    %convert_element_type3A_408 = arith.extui %eq3A_401 : vector<32x1024xi1> to vector<32x1024xi32>
    %convert_element_type3A_409 = arith.sitofp %convert_element_type3A_408 : vector<32x1024xi32> to vector<32x1024xf32>
    %convert_element_type3A_410 = arith.truncf %convert_element_type3A_409 : vector<32x1024xf32> to vector<32x1024xbf16>
    %get3A_411 = arith.constant 0 : index
    %get3A_412 = arith.constant 0 : index
    %get3A_413 = vector.load %arg6[%get3A_411, %get3A_412] : memref<1024x1024xbf16, #tpu.memory_space<vmem>>, vector<1024x1024xbf16>
    %dot_general3A_414 = arith.constant dense<0.000000e+00> : vector<32x1024xf32>
    %dot_general3A_415 = tpu.matmul %convert_element_type3A_410, %get3A_413, %dot_general3A_414 {dimension_numbers = #tpu.dot_dimension_numbers<[1], [0], [0], [1], [0, 0, 1, 1], [], []>, transpose_lhs_hint = false} : vector<32x1024xbf16>, vector<1024x1024xbf16>, vector<32x1024xf32> -> vector<32x1024xf32>
    %lt3A_416 = vector.broadcast %convert_element_type3A_407 : vector<32x1xf32> to vector<32x1024xf32>
    %lt3A_417 = arith.cmpf olt, %dot_general3A_415, %lt3A_416 : vector<32x1024xf32>
    %and3A_418 = arith.andi %eq3A_401, %lt3A_417 : vector<32x1024xi1>
    %or3A_419 = arith.ori %gt3A_399, %and3A_418 : vector<32x1024xi1>
    %convert_element_type3A_420 = arith.extui %or3A_419 : vector<32x1024xi1> to vector<32x1024xi32>
    %convert_element_type3A_421 = arith.sitofp %convert_element_type3A_420 : vector<32x1024xi32> to vector<32x1024xf32>
    %sub3A_422 = arith.constant 1.000000e+00 : f32
    %sub3A_423 = vector.broadcast %sub3A_422 : f32 to vector<32x1024xf32>
    %sub3A_424 = arith.subf %sub3A_423, %convert_element_type3A_421 : vector<32x1024xf32>
    %slice3A = vector.extract_strided_slice %sub3A_424 {offsets = [0, 0], sizes = [16, 1024], strides = [1, 1]} : vector<32x1024xf32> to vector<16x1024xf32>
    %transpose3A_425 = tpu.transpose %slice3A, [1, 0] : vector<16x1024xf32> -> vector<1024x16xf32>
    %slice3A_426 = vector.extract_strided_slice %sub3A_424 {offsets = [16, 0], sizes = [16, 1024], strides = [1, 1]} : vector<32x1024xf32> to vector<16x1024xf32>
    %transpose3A_427 = tpu.transpose %slice3A_426, [1, 0] : vector<16x1024xf32> -> vector<1024x16xf32>
    %swap3A = arith.constant 0 : index
    %swap3A_428 = arith.constant 0 : index
    %swap3A_429 = arith.constant 0 : index
    %swap3A_430 = vector.load %arg3[%swap3A, %swap3A_428, %swap3A_429] : memref<1x1024x16xf32, #tpu.memory_space<vmem>>, vector<1x1024x16xf32>
    %swap3A_431 = vector.shape_cast %swap3A_430 : vector<1x1024x16xf32> to vector<1024x16xf32>
    %swap3A_432 = vector.shape_cast %transpose3A_425 : vector<1024x16xf32> to vector<1x1024x16xf32>
    tpu.vector_store %arg3[%swap3A, %swap3A_428, %swap3A_429], %swap3A_432 {strides = array<i32>} : memref<1x1024x16xf32, #tpu.memory_space<vmem>>, vector<1x1024x16xf32>,
    %swap3A_433 = arith.constant 0 : index
    %swap3A_434 = arith.constant 0 : index
    %swap3A_435 = arith.constant 0 : index
    %swap3A_436 = vector.load %arg5[%swap3A_433, %swap3A_434, %swap3A_435] : memref<1x1024x16xf32, #tpu.memory_space<vmem>>, vector<1x1024x16xf32>
    %swap3A_437 = vector.shape_cast %swap3A_436 : vector<1x1024x16xf32> to vector<1024x16xf32>
    %swap3A_438 = vector.shape_cast %transpose3A_427 : vector<1024x16xf32> to vector<1x1024x16xf32>
    tpu.vector_store %arg5[%swap3A_433, %swap3A_434, %swap3A_435], %swap3A_438 {strides = array<i32>} : memref<1x1024x16xf32, #tpu.memory_space<vmem>>, vector<1x1024x16xf32>,
    %transpose3A_439 = tpu.transpose %iota3A_6, [1, 0] : vector<192x16xi32> -> vector<16x192xi32>
    %transpose3A_440 = tpu.transpose %iota3A, [1, 0] : vector<192x16xi32> -> vector<16x192xi32>
    %jit3A_441 = arith.constant 12 : i32
    %div3A_442 = vector.broadcast %jit3A_441 : i32 to vector<16x192xi32>
    %div3A_443 = arith.divsi %transpose3A_440, %div3A_442 : vector<16x192xi32>
    %sign3A_444 = arith.constant 0 : i32
    %sign3A_445 = vector.broadcast %sign3A_444 : i32 to vector<16x192xi32>
    %sign3A_446 = arith.cmpi sgt, %transpose3A_440, %sign3A_445 : vector<16x192xi32>
    %sign3A_447 = arith.extui %sign3A_446 : vector<16x192xi1> to vector<16x192xi32>
    %sign3A_448 = arith.constant 0 : i32
    %sign3A_449 = vector.broadcast %sign3A_448 : i32 to vector<16x192xi32>
    %sign3A_450 = arith.cmpi slt, %transpose3A_440, %sign3A_449 : vector<16x192xi32>
    %sign3A_451 = arith.extui %sign3A_450 : vector<16x192xi1> to vector<16x192xi32>
    %sign3A_452 = arith.subi %sign3A_447, %sign3A_451 : vector<16x192xi32>
    %sign3A_453 = arith.constant 0 : i32
    %sign3A_454 = arith.cmpi sgt, %jit3A_441, %sign3A_453 : i32
    %sign3A_455 = arith.extui %sign3A_454 : i1 to i32
    %sign3A_456 = arith.constant 0 : i32
    %sign3A_457 = arith.cmpi slt, %jit3A_441, %sign3A_456 : i32
    %sign3A_458 = arith.extui %sign3A_457 : i1 to i32
    %sign3A_459 = arith.subi %sign3A_455, %sign3A_458 : i32
    %ne3A_460 = vector.broadcast %sign3A_459 : i32 to vector<16x192xi32>
    %ne3A_461 = arith.cmpi ne, %sign3A_452, %ne3A_460 : vector<16x192xi32>
    %rem3A_462 = vector.broadcast %jit3A_441 : i32 to vector<16x192xi32>
    %rem3A_463 = arith.remsi %transpose3A_440, %rem3A_462 : vector<16x192xi32>
    %ne3A_464 = arith.constant 0 : i32
    %ne3A_465 = vector.broadcast %ne3A_464 : i32 to vector<16x192xi32>
    %ne3A_466 = arith.cmpi ne, %rem3A_463, %ne3A_465 : vector<16x192xi32>
    %and3A_467 = arith.andi %ne3A_461, %ne3A_466 : vector<16x192xi1>
    %sub3A_468 = arith.constant 1 : i32
    %sub3A_469 = vector.broadcast %sub3A_468 : i32 to vector<16x192xi32>
    %sub3A_470 = arith.subi %div3A_443, %sub3A_469 : vector<16x192xi32>
    %select_n3A_471 = arith.select %and3A_467, %sub3A_470, %div3A_443 : vector<16x192xi1>, vector<16x192xi32>
    %eq3A_472 = arith.cmpi eq, %transpose3A_439, %select_n3A_471 : vector<16x192xi32>
    %jit3A_473 = arith.constant 1.000000e+00 : f32
    %jit3A_474 = arith.constant 0.000000e+00 : f32
    %broadcast_in_dim3A_475 = vector.broadcast %jit3A_473 : f32 to vector<16x192xf32>
    %broadcast_in_dim3A_476 = vector.broadcast %jit3A_474 : f32 to vector<16x192xf32>
    %select_n3A_477 = arith.select %eq3A_472, %broadcast_in_dim3A_475, %broadcast_in_dim3A_476 : vector<16x192xi1>, vector<16x192xf32>
    %dot_general3A_478 = arith.constant dense<0.000000e+00> : vector<1024x192xf32>
    %dot_general3A_479 = tpu.matmul %transpose3A_425, %select_n3A_477, %dot_general3A_478 {dimension_numbers = #tpu.dot_dimension_numbers<[1], [0], [0], [1], [0, 0, 1, 1], [], []>, transpose_lhs_hint = false} : vector<1024x16xf32>, vector<16x192xf32>, vector<1024x192xf32> -> vector<1024x192xf32>
    %mul3A_480 = arith.mulf %get3A_5, %dot_general3A_479 : vector<1024x192xf32>
    %swap3A_481 = arith.constant 0 : index
    %swap3A_482 = arith.constant 0 : index
    %swap3A_483 = arith.constant 0 : index
    %swap3A_484 = vector.load %arg2[%swap3A_481, %swap3A_482, %swap3A_483] : memref<1x1024x192xf32, #tpu.memory_space<vmem>>, vector<1x1024x192xf32>
    %swap3A_485 = vector.shape_cast %swap3A_484 : vector<1x1024x192xf32> to vector<1024x192xf32>
    %swap3A_486 = vector.shape_cast %mul3A_480 : vector<1024x192xf32> to vector<1x1024x192xf32>
    tpu.vector_store %arg2[%swap3A_481, %swap3A_482, %swap3A_483], %swap3A_486 {strides = array<i32>} : memref<1x1024x192xf32, #tpu.memory_space<vmem>>, vector<1x1024x192xf32>,
    %dot_general3A_487 = arith.constant dense<0.000000e+00> : vector<1024x192xf32>
    %dot_general3A_488 = tpu.matmul %transpose3A_427, %select_n3A_477, %dot_general3A_487 {dimension_numbers = #tpu.dot_dimension_numbers<[1], [0], [0], [1], [0, 0, 1, 1], [], []>, transpose_lhs_hint = false} : vector<1024x16xf32>, vector<16x192xf32>, vector<1024x192xf32> -> vector<1024x192xf32>
    %mul3A_489 = arith.mulf %get3A_5, %dot_general3A_488 : vector<1024x192xf32>
    %swap3A_490 = arith.constant 0 : index
    %swap3A_491 = arith.constant 0 : index
    %swap3A_492 = arith.constant 0 : index
    %swap3A_493 = vector.load %arg4[%swap3A_490, %swap3A_491, %swap3A_492] : memref<1x1024x192xf32, #tpu.memory_space<vmem>>, vector<1x1024x192xf32>
    %swap3A_494 = vector.shape_cast %swap3A_493 : vector<1x1024x192xf32> to vector<1024x192xf32>
    %swap3A_495 = vector.shape_cast %mul3A_489 : vector<1024x192xf32> to vector<1x1024x192xf32>
    tpu.vector_store %arg4[%swap3A_490, %swap3A_491, %swap3A_492], %swap3A_495 {strides = array<i32>} : memref<1x1024x192xf32, #tpu.memory_space<vmem>>, vector<1x1024x192xf32>,
    return
  }
  func.func @transform_0(%arg0: i32) -> (i32, i32, i32) {
    %c0_i32 = arith.constant 0 : i32
    %c0_i32_0 = arith.constant 0 : i32
    %c0_i32_1 = arith.constant 0 : i32
    return %arg0, %c0_i32, %c0_i32_0 : i32, i32, i32
  }
  func.func @transform_1(%arg0: i32) -> (i32, i32, i32) {
    %c0_i32 = arith.constant 0 : i32
    %c0_i32_0 = arith.constant 0 : i32
    %c0_i32_1 = arith.constant 0 : i32
    return %arg0, %c0_i32, %c0_i32_0 : i32, i32, i32
  }
  func.func @transform_2(%arg0: i32) -> (i32, i32, i32) {
    %c0_i32 = arith.constant 0 : i32
    %c0_i32_0 = arith.constant 0 : i32
    %c0_i32_1 = arith.constant 0 : i32
    return %arg0, %c0_i32, %c0_i32_0 : i32, i32, i32
  }
  func.func @transform_3(%arg0: i32) -> (i32, i32, i32) {
    %c0_i32 = arith.constant 0 : i32
    %c0_i32_0 = arith.constant 0 : i32
    %c0_i32_1 = arith.constant 0 : i32
    return %arg0, %c0_i32, %c0_i32_0 : i32, i32, i32
  }
  func.func @transform_4(%arg0: i32) -> (i32, i32, i32) {
    %c0_i32 = arith.constant 0 : i32
    %c0_i32_0 = arith.constant 0 : i32
    %c0_i32_1 = arith.constant 0 : i32
    return %arg0, %c0_i32, %c0_i32_0 : i32, i32, i32
  }
}

</mosaic_0001>

<sc_bundles>
// kernel: sparse-core-data-format-call.1.cloned.1.call-start
scs
called_computation.1_lowered:
.L_overlay_start_0:
0x0: {  	s2 =	sld [smem:$0x3FD9]  }
0x1: {  	s3 =	sld [smem:$0x3FFE];
	_ =	sdelay $0x1  }
0x2: {  	s1 =	srdreg.scid  }
0x3: {  	s0 =	sand.u32 $0x1, s1  }
0x4: {  	s16 =	sshll.u32 s0, $0xA;
	s2 =	sadd.s32 s3, s2  }
0x5: {  	s2 =	sadd.s32 s2, s16  }
0x6: {  	[smem:$0x3FC7] =	sst s2  }
0x7: {  	_ = 	snop  }
0x8: {  	s2 =	sld [smem:$0x3FD0];
	_ =	sdelay $0x2  }
0x9: {  	s17 =	simm.s32 $0xB;
	s4 =	simm.s32 $0x10  }
0xa: {  	[smem:s4], [sflag:s17] =	dma.local [hbm:s2], $0x1  }
0xb: {  	_ =	swait.eq [sflag:s17], $0x1  }
0xc: {  	[sflag:s17] =	ssyncset.done $0x0  }
0xd: {  	[sflag:s17] =	ssyncadd.s32 $0xFFFFFFFF  }
0xe: {  	s18 =	sld [smem:$0x10];
	(tm) =	ssettm $0x1  }
0xf: {  	s19 =	sld [smem:$0x3FFB];
	_ =	sdelay $0x3  }
0x10: {  	_ =	strace s19  }
0x11: {  	s2 =	sld [smem:$0x3FFC];
	_ =	sdelay $0x3  }
0x12: {  	_ =	strace s2  }
0x13: {  	s2 =	sld [smem:$0x3FFD];
	_ =	sdelay $0x3  }
0x14: {  	_ =	strace s2  }
0x15: {  	_ =	strace $0x8FFFFFFF  }
0x16: {  	s20 =	sld [smem:$0x3FDB];
	_ =	sdelay $0x1  }
0x17: {  	s21 =	simm.s32 $_scs_section_size  }
0x18: {  	s5 =	simm.s32 $_size__tile_overlayer_lowered;
	s6 =	simm.s32 $_tile_overlayer_lowered  }
0x19: {  	s7 =	simm.s32 $0x1BFF;
	s22 =	sshll.u32 s6, $0x1;
	s4 =	sadd.s32 s21, s20  }
0x1a: {  	s23 =	simm.s32 $0x0;
	s5 =	sshll.u32 s5, $0x1;
	s6 =	sadd.s32 s22, s4  }
0x1b: {  	[timem:s23], [sflag:s7] =	dma.local [hbm:s6], s5  }
0x1c: {  	_ =	swait.ge [sflag:s7], s5  }
0x1d: {  	s5 =	ssub.s32 $0x0, s5;
	[sflag:s7] =	ssyncset.done $0x0  }
0x1e: {  	[sflag:s7] =	ssyncadd.s32 s5;
	_ =	sdelay $0x1  }
0x1f: {  	s24 =	simm.s32 $0x1B8B  }
0x20: {  	_ =	swait.ge [sflag:s24], $0x1  }
0x21: {  	[sflag:s24] =	ssyncset.done $0x0  }
0x22: {  	[sflag:s24] =	ssyncadd.s32 $0xFFFFFFFF  }
0x23: {  	s5 =	sld [smem:$0x0]  }
0x24: {  	s6 =	sand.u32 $0xFFFFFFFE, s1  }
0x25: {  	p0 =	sne.s32 s1, s6  }
0x26: {  	s6 =	sshll.u32 @p0 s6, $0xE  }
0x27: {  	s6 =	sadd.s32 @p0 $0x11B8D, s6;
	s7 =	sshll.u32 @p0 s5, $0x11  }
0x28: {  	s6 =	sor.u32 @p0 s7, s6  }
0x29: {  	[sflag:s6] =	ssyncadd.remote.s32 @p0 $0x1;
	_ =	sdelay $0x1  }
0x2a: {  	s6 =	simm.s32 @p0 $0x1B8D  }
0x2b: {  	_ =	swait.eq @p0 [sflag:s6], $0x1  }
0x2c: {  	[sflag:s6] =	ssyncadd.s32 @p0 $0xFFFFFFFF  }
0x2d: {  	s7 =	sshll.u32 @!p0 s1, $0xE  }
0x2e: {  	s7 =	sor.u32 @!p0 $0x4000, s7;
	s6 =	simm.s32 @!p0 $0x1B8D  }
0x2f: {  	s5 =	sshll.u32 @!p0 s5, $0x11;
	s7 =	sadd.s32 @!p0 $0x11B8D, s7;
	_ =	swait.eq @!p0 [sflag:s6], $0x1  }
0x30: {  	s5 =	sor.u32 @!p0 s5, s7;
	[sflag:s6] =	ssyncadd.s32 @!p0 $0xFFFFFFFF  }
0x31: {  	s26 =	simm.s32 $0x1B8E;
	s25 =	sld [smem:$0x3FFE];
	[sflag:s5] =	ssyncadd.remote.s32 @!p0 $0x1  }
0x32: {  	s27 =	simm.s32 $execute0_lowered;
	[smem:$0x3FD2] =	sst s26  }
0x33: {  	s6 =	sshll.u32 s27, $0x1;
	_ =	strace $0x80000049;
	[dreg:$0x1] =	wrdreg $0xFFFFFFFF  }
0x34: {  	s28 =	simm.s32 $_size_execute0_lowered;
	s4 =	sadd.s32 s4, s6;
	[dreg:$0x0] =	wrdreg $0x0  }
0x35: {  	s6 =	sshll.u32 s28, $0x1;
	[dreg:$0x2] =	wrdreg s4  }
0x36: {  	[dreg:$0x3] =	wrdreg s6  }
0x37: {  	[dreg:$0x4] =	wrdreg $0xC0  }
0x38: {  	_ =	task [dreg:s23], $0x5FFFF  }
0x39: {  	[dreg:$0x1] =	wrdreg $0xFFFFFFFF  }
0x3a: {  	[dreg:$0x0] =	wrdreg $0x60  }
0x3b: {  	[dreg:$0x2] =	wrdreg s25  }
0x3c: {  	[dreg:$0x3] =	wrdreg s18  }
0x3d: {  	[dreg:$0x4] =	wrdreg $0xA  }
0x3e: {  	_ =	task.clear_ibuf [dreg:s23], $0x5FFFF;
	_ =	strace $0x90000049  }
0x3f: {  	s29 =	simm.s32 $0xA;
	_ =	strace $0x8000004B  }
0x40: {  	_ =	swait.ge [sflag:s29], $0x1  }
0x41: {  	[sflag:s29] =	ssyncadd.s32 $0xFFFFFFFF  }
0x42: {  	_ =	strace $0x9000004B  }
0x43: {  	_ =	sfence  }
0x44: {  	s30 =	sld [smem:$0x0];
	_ =	sdelay $0x2  }
0x45: {  	s31 =	sshll.u32 s1, $0xD;
	s1 =	sshrl.u32 s1, $0x2  }
0x46: {  	s4 =	sand.u32 $0x4000, s31;
	s1 =	sadd.s32 s1, s30  }
0x47: {  	s0 =	sor.u32 s4, s0;
	s1 =	sshll.u32 s1, $0x11  }
0x48: {  	s0 =	sor.u32 s1, s0  }
0x49: {  	s0 =	sadd.s32 $0x8F2B, s0  }
0x4a: {  	[sflag:s0] =	ssyncadd.remote.s32 $0x1  }
0x4b: {  	_ =	sfence.sel $0xFFFF  }
0x4c: {  	[dreg:$0x0] =	wrdreg $0xFFFFFFFF;
	(pc) =	sbr.abs _section_cstart, $3  }
0x4d: {  	[dreg:$0x1] =	wrdreg $0xFFFFFFFF  }
0x4e: {  	_ =	task.clear_ibuf [dreg:s23], $0x2FFFF;
	_ =	strace $0x9FFFFFFF  }
0x4f: {  	(tm) =	ssettm $0x7FFFFFFF  }
tec
execute0_lowered:
.L_overlay_start_1:
0x0: {  	(tag) =	ssettag $0x1  }
0x1: {  	s0 =	srdreg.scid;
	s3 =	rddreg [dreg:$0x0]  }
0x2: {  	s2 =	rddreg [dreg:$0x1];
	s7 =	simm.s32 $0x2;
	s15 =	simm.s32 $0x0  }
0x3: {  	s8 =	simm.s32 $0x30000;
	s9 =	simm.s32 $0x0;
	s0 =	sshll.u32 s0, $0x7  }
0x4: {  	s16 =	simm.s32 $0x0;
	s17 =	simm.s32 $0x0;
	s1 =	sand.u32 $0x80, s0  }
0x5: {  	s18 =	simm.s32 $0x0;
	s10 =	simm.s32 $0x0;
	s4 =	ssub.s32 $0x400, s1  }
0x6: {  	s12 =	simm.s32 $0x0;
	s13 =	stileid.u32;
	s5 =	sshrl.u32 s4, $0x7  }
.Ltmp0:
0x7: {  	s4 =	sshrl.u32 s4, $0x8;
	s5 =	sand.u32 $0x1, s5;
	(pc) =	sbr.rel .LBB1_1-.Ltmp0, $4  }
0x8: {  	s14 =	simm.s32 $0x0;
	s0 =	rddreg [dreg:$0x2];
	s6 =	sadd.s32 s4, s5  }
0x9: {  	_ =	strace $0x8000004A;
	s5 =	simm.s32 $0x1;
	s6 =	smul.u32 $0xC, s6  }
0xa: {  	s11 =	smov.u32 s1;
	s4 =	sadd.s32 $0x300A00, s3;
	[sflag:s5] =	ssyncpa.u1 $0x0  }
0xb: {  	s3 =	stileid.u32;
	[sflag:s7] =	ssyncpa.u1 $0x0;
	s7 =	sor.u32 $0x1, s6  }
.LBB1_4:
0xc: {  	_ =	sdelay $0x3  }
0xd: {  	[tilespmem:v0+s21+$0xFFFFFFA0 ss:$0x1] =	vst.idx.msk $0xffff, v6  }
0xe: {  	v56 =	vld.idx.msk [tilespmem:v1+s20+$0x30 ss:$0x1], $0xffff;
	[tilespmem:v0+s21+$0xFFFFFFB0 ss:$0x1] =	vst.idx.msk $0xffff, v4  }
0xf: {  	v57 =	vld.idx.msk [tilespmem:v1+s20+$0xFFFFFFC0 ss:$0x1], $0xffff;
	[tilespmem:v0+s21+$0xFFFFFFC0 ss:$0x1] =	vst.idx.msk $0xffff, v2  }
0x10: {  	v58 =	vld.idx.msk [tilespmem:v1+s20+$0xFFFFFFD0 ss:$0x1], $0xffff;
	[tilespmem:v0+s21+$0xFFFFFFD0 ss:$0x1] =	vst.idx.msk $0xffff, v3  }
0x11: {  	v59 =	vld.idx.msk [tilespmem:v1+s20+$0xFFFFFFE0 ss:$0x1], $0xffff;
	[tilespmem:v0+s21+$0xFFFFFFE0 ss:$0x1] =	vst.idx.msk $0xffff, v5  }
0x12: {  	v60 =	vld.idx.msk [tilespmem:v1+s20+$0xFFFFFFF0 ss:$0x1], $0xffff;
	[tilespmem:v0+s21+$0xFFFFFFF0 ss:$0x1] =	vst.idx.msk $0xffff, v7  }
0x13: {  	v61 =	vld.idx.msk [tilespmem:v1+s20+$0x0 ss:$0x1], $0xffff;
	[tilespmem:v0+s20+$0x0 ss:$0x1] =	vst.idx.msk $0xffff, v56  }
0x14: {  	v62 =	vld.idx.msk [tilespmem:v1+s20+$0x10 ss:$0x1], $0xffff;
	[tilespmem:v0+s20+$0xFFFFFF90 ss:$0x1] =	vst.idx.msk $0xffff, v57  }
0x15: {  	s18 =	sshll.u32 s18, $0x7;
	v63 =	vld.idx.msk [tilespmem:v1+s20+$0x20 ss:$0x1], $0xffff;
	s29 =	sand.u32 $0x78, s15;
	s16 =	smul.u32 $0x6000, s16;
	[tilespmem:v0+s20+$0xFFFFFFA0 ss:$0x1] =	vst.idx.msk $0xffff, v58  }
0x16: {  	s17 =	sshll.u32 s17, $0xB;
	s30 =	sand.u32 $0x7, s15;
	s22 =	sand.u32 $0x380, s18;
	[tilespmem:v0+s20+$0xFFFFFFB0 ss:$0x1] =	vst.idx.msk $0xffff, v59  }
0x17: {  	s18 =	sand.u32 $0x400, s18;
	s17 =	sadd.s32 s2, s17;
	s21 =	sor.u32 s22, s29;
	[tilespmem:v0+s20+$0xFFFFFFC0 ss:$0x1] =	vst.idx.msk $0xffff, v60  }
0x18: {  	s18 =	sadd.s32 s15, s18;
	s16 =	sadd.s32 s16, s17;
	s21 =	sshrl.u32 s21, $0x3;
	[tilespmem:v0+s20+$0xFFFFFFD0 ss:$0x1] =	vst.idx.msk $0xffff, v61  }
0x19: {  	s15 =	sshll.u32 s30, $0x12;
	s31 =	sand.u32 $0x780, s18;
	s16 =	sadd.s32 s21, s16;
	[tilespmem:v0+s20+$0xFFFFFFE0 ss:$0x1] =	vst.idx.msk $0xffff, v62  }
0x1a: {  	s15 =	sor.u32 $0x80, s15;
	[tilespmem:v0+s20+$0xFFFFFFF0 ss:$0x1] =	vst.idx.msk $0xffff, v63;
	s16 =	sadd.s32 s31, s16  }
0x1b: {  	[hbm4b:s16+s15] =	stream.strided.scatter [tilespmem:s19], [sflag:$0x2], $0x4000, s8, s15, $0x38;
	[tilespmem:$0x10000] =	vst v63  }
.LBB1_5:
0x1c: {  	s19 =	sadd.s32 $0x100, s11  }
0x1d: {  	s15 =	sadd.s32 $0x80, s10;
	s20 =	smov.u32 s10;
	p1 =	sgt.s32 s19, $0x3FF  }
0x1e: {  	s20 =	smov.u32 @p1 s15  }
0x1f: {  	s15 =	simm.s32 $0x1;
	p2 =	sgt.s32 s20, $0x7F  }
0x20: {  	s15 =	simm.s32 @!p2 $0x0  }
0x21: {  	s21 =	sadd.s32 s15, s12  }
0x22: {  	s22 =	smov.u32 s13;
	s15 =	sadd.s32 $0x10, s13;
	p3 =	sgt.s32 s21, $0xB  }
0x23: {  	p0 =	slt.u32 s14, $0x2;
	s22 =	smov.u32 @p3 s15  }
0x24: {  	s16 =	smov.u32 s10;
	s19 =	smov.u32 @p1 s1;
	p1 =	sgt.s32 s22, $0xF  }
0x25: {  	s23 =	simm.s32 @!p0 $0x2;
	s22 =	smov.u32 @p1 s3;
	p1 =	sne.s32 s14, s7  }
.Ltmp1:
0x26: {  	s17 =	smov.u32 s12;
	_ =	swait.ge @!p0 [sflag:s23], $0x4000;
	(pc) =	sbr.rel @!p1 .LBB1_6-.Ltmp1, $4  }
0x27: {  	s18 =	smov.u32 s13;
	[sflag:s23] =	ssyncset.done @!p0 $0x0;
	s20 =	simm.s32 @p2 $0x0  }
0x28: {  	s9 =	sadd.s32 $0x4000, s9;
	[sflag:s23] =	ssyncadd.s32 @!p0 $0xFFFFC000;
	s10 =	smov.u32 s20  }
0x29: {  	s21 =	simm.s32 @p3 $0x0;
	s15 =	smov.u32 s11;
	s11 =	smov.u32 s19  }
0x2a: {  	s12 =	smov.u32 s21;
	s14 =	sadd.s32 $0x1, s14;
	s13 =	smov.u32 s22  }
.LBB1_1:
0x2b: {  	p0 =	sge.u32 s14, s6;
	s31 =	sadd.s32 $0xFFFFFFFF, s14  }
0x2c: {  	s19 =	sxor.u32 @!p0 $0xFFFFFFFF, s14;
	s20 =	sshll.u32 @!p0 s10, $0x7;
	s21 =	sand.u32 @!p0 $0x78, s11  }
0x2d: {  	s23 =	smul.u32 @!p0 $0x30000, s13;
	s19 =	sshll.u32 @!p0 s19, $0xE;
	s22 =	sand.u32 @!p0 $0x380, s20  }
0x2e: {  	s20 =	sand.u32 @!p0 $0x3C00, s20;
	s19 =	sand.u32 @!p0 $0x4000, s19;
	s21 =	sor.u32 @!p0 s21, s22  }
0x2f: {  	s20 =	sadd.s32 @!p0 s11, s20;
	s22 =	sshll.u32 @!p0 s12, $0xE;
	s23 =	sadd.s32 @!p0 s4, s23  }
0x30: {  	s21 =	sshrl.u32 @!p0 s21, $0x3;
	s22 =	sadd.s32 @!p0 s22, s23;
	s23 =	sand.u32 @!p0 $0x7, s11  }
0x31: {  	s20 =	sand.u32 @!p0 $0x3F80, s20;
	s21 =	sadd.s32 @!p0 s21, s22;
	s22 =	sshll.u32 @!p0 s23, $0x12  }
0x32: {  	s20 =	sadd.s32 @!p0 s20, s21;
	s21 =	sor.u32 @!p0 $0x400, s22;
	s22 =	simm.s32 @!p0 $0x2000  }
0x33: {  	[tilespmem:s19], [sflag:$0x1] =	stream.strided.gather @!p0 [hbm4b:s20+s21], $0x4000, s22, s21, $0x38;
	[tilespmem:$0x10000] =	vst v63  }
0x34: {  	p0 =	sge.u32 s31, s6  }
.Ltmp2:
0x35: {  	_ = 	snop;
	(pc) =	sbr.rel @p0 .LBB1_5-.Ltmp2, $1  }
0x36: {  	_ =	sdelay $0x3  }
0x37: {  	s19 =	sand.u32 $0x4000, s9  }
0x38: {  	s20 =	sor.u32 $0x40, s19  }
0x39: {  	v1 =	vmov s20;
	_ =	sdelay $0x1  }
0x3a: {  	_ =	swait.ge [sflag:s5], $0x4000  }
0x3b: {  	[sflag:s5] =	ssyncset.done $0x0  }
0x3c: {  	s21 =	simm.s32 $0x0;
	[sflag:s5] =	ssyncadd.s32 $0xFFFFC000  }
0x3d: {  	s19 =	sor.u32 $0x8070, s19;
	v7 =	vld.idx.msk [tilespmem:v1+s21+$0x30 ss:$0x1], $0xffff  }
0x3e: {  	v0 =	vmov s19;
	v8 =	vld.idx.msk [tilespmem:v1+s21+$0xFFFFFFC0 ss:$0x1], $0xffff  }
0x3f: {  	v6 =	vld.idx.msk [tilespmem:v1+s21+$0xFFFFFFD0 ss:$0x1], $0xffff  }
0x40: {  	v4 =	vld.idx.msk [tilespmem:v1+s21+$0xFFFFFFE0 ss:$0x1], $0xffff  }
0x41: {  	v2 =	vld.idx.msk [tilespmem:v1+s21+$0xFFFFFFF0 ss:$0x1], $0xffff  }
0x42: {  	s31 =	sshll.u32 s14, $0xE;
	v3 =	vld.idx.msk [tilespmem:v1+s21+$0x0 ss:$0x1], $0xffff  }
0x43: {  	s19 =	sand.u32 $0x4000, s31;
	v5 =	vld.idx.msk [tilespmem:v1+s21+$0x10 ss:$0x1], $0xffff;
	[tilespmem:v0+s21+$0x0 ss:$0x1] =	vst.idx.msk $0xffff, v7  }
0x44: {  	s22 =	simm.s32 $0x400;
	s20 =	simm.s32 $0x80;
	s19 =	sor.u32 $0x8000, s19;
	[tilespmem:v0+s21+$0xFFFFFF90 ss:$0x1] =	vst.idx.msk $0xffff, v8;
	v7 =	vld.idx.msk [tilespmem:v1+s21+$0x20 ss:$0x1], $0xffff  }
.LBB1_3:
0x45: {  	p0 =	sne.s32 s22, $0xFE00;
	v8 =	vld.idx.msk [tilespmem:v1+s20+$0x30 ss:$0x1], $0xffff;
	[tilespmem:v0+s21+$0xFFFFFFA0 ss:$0x1] =	vst.idx.msk $0xffff, v6  }
0x46: {  	v9 =	vld.idx.msk [tilespmem:v1+s20+$0xFFFFFFC0 ss:$0x1], $0xffff;
	[tilespmem:v0+s21+$0xFFFFFFB0 ss:$0x1] =	vst.idx.msk $0xffff, v4  }
0x47: {  	v6 =	vld.idx.msk [tilespmem:v1+s20+$0xFFFFFFD0 ss:$0x1], $0xffff;
	[tilespmem:v0+s21+$0xFFFFFFC0 ss:$0x1] =	vst.idx.msk $0xffff, v2  }
.Ltmp3:
0x48: {  	v4 =	vld.idx.msk [tilespmem:v1+s20+$0xFFFFFFE0 ss:$0x1], $0xffff;
	[tilespmem:v0+s21+$0xFFFFFFD0 ss:$0x1] =	vst.idx.msk $0xffff, v3;
	(pc) =	sbr.rel @p0 .LBB1_3-.Ltmp3, $4  }
0x49: {  	v2 =	vld.idx.msk [tilespmem:v1+s20+$0xFFFFFFF0 ss:$0x1], $0xffff;
	[tilespmem:v0+s21+$0xFFFFFFE0 ss:$0x1] =	vst.idx.msk $0xffff, v5  }
0x4a: {  	v3 =	vld.idx.msk [tilespmem:v1+s20+$0x0 ss:$0x1], $0xffff;
	[tilespmem:v0+s21+$0xFFFFFFF0 ss:$0x1] =	vst.idx.msk $0xffff, v7;
	s21 =	smov.u32 s20  }
0x4b: {  	v5 =	vld.idx.msk [tilespmem:v1+s21+$0x10 ss:$0x1], $0xffff;
	[tilespmem:v0+s21+$0x0 ss:$0x1] =	vst.idx.msk $0xffff, v8  }
0x4c: {  	s20 =	sshra.s32 s22, $0x2;
	s22 =	sadd.s32 $0x200, s22;
	[tilespmem:v0+s21+$0xFFFFFF90 ss:$0x1] =	vst.idx.msk $0xffff, v9;
	v7 =	vld.idx.msk [tilespmem:v1+s21+$0x20 ss:$0x1], $0xffff  }
.Ltmp4:
0x4d: {  	_ = 	snop;
	(pc) =	sbr.rel .LBB1_4-.Ltmp4, $1  }
0x4e: {  	_ =	sdelay $0x3  }
.LBB1_6:
0x4f: {  	_ =	sfence.sel $0x180000  }
0x50: {  	s1 =	simm.s32 $0x1;
	[bflag:$0x0] =	sbarrier.arrive $0xFFFF  }
0x51: {  	s31 =	simm.s32 $0x2;
	[sflag:s1] =	ssyncpa.u1 $0x1  }
0x52: {  	[sflag:s31] =	ssyncpa.u1 $0x1  }
0x53: {  	p0 =	sne.s32 s3, $0x0;
	_ =	strace $0x9000004A  }
0x54: {  	s0 =	sadd.s32 @!p0 $0x100000, s0;
	[bflag:$0x2] =	sbarrier.arrive $0xFFFF  }
0x55: {  	[sflag:s0] =	ssyncadd.tile.s32 @!p0 $0x1;
	_ =	shalt  }
.Lfunc_end1:
_tile_overlayer_lowered:
.L_overlay_start_2:
0x56: {  	(tag) =	ssettag $0x2  }
0x57: {  	s0 =	rddreg [dreg:$0x0];
	s2 =	stileid.u32  }
0x58: {  	s1 =	rddreg [dreg:$0x1];
	p0 =	sne.s32 s2, $0x0  }
0x59: {  	s3 =	rddreg [dreg:$0x2];
	[bflag:$0x3] =	sbarrier.arrive $0xFFFF;
	s2 =	simm.s32 @!p0 $0x1C01  }
0x5a: {  	[timem:s3], [sflag:s2] =	dma.local @!p0 [hbm:s0], s1  }
0x5b: {  	s0 =	simm.s32 @!p0 $0x1  }
0x5c: {  	_ =	swait.ge @!p0 [sflag:s0], s1  }
0x5d: {  	s1 =	ssub.s32 @!p0 $0x0, s1;
	[sflag:s0] =	ssyncset.done @!p0 $0x0  }
0x5e: {  	[sflag:s0] =	ssyncadd.s32 @!p0 s1  }
0x5f: {  	[bflag:$0x3] =	sbarrier.arrive $0xFFFF  }
0x60: {  	_ =	shalt  }

// kernel: sparse-core-data-format-call.cloned.1.call-start
scs
called_computation_lowered:
.L_overlay_start_0:
0x0: {  	s2 =	sld [smem:$0x3FD9]  }
0x1: {  	s3 =	sld [smem:$0x3FFE];
	_ =	sdelay $0x1  }
0x2: {  	s1 =	srdreg.scid  }
0x3: {  	s0 =	sand.u32 $0x1, s1  }
0x4: {  	s15 =	sshll.u32 s0, $0xA;
	s2 =	sadd.s32 s3, s2  }
0x5: {  	s2 =	sadd.s32 s2, s15  }
0x6: {  	[smem:$0x3FC7] =	sst s2  }
0x7: {  	_ = 	snop  }
0x8: {  	s2 =	sld [smem:$0x3FD0];
	_ =	sdelay $0x2  }
0x9: {  	s16 =	simm.s32 $0xB;
	s4 =	simm.s32 $0x10  }
0xa: {  	[smem:s4], [sflag:s16] =	dma.local [hbm:s2], $0x1  }
0xb: {  	_ =	swait.eq [sflag:s16], $0x1  }
0xc: {  	[sflag:s16] =	ssyncset.done $0x0  }
0xd: {  	[sflag:s16] =	ssyncadd.s32 $0xFFFFFFFF  }
0xe: {  	s17 =	sld [smem:$0x12];
	(tm) =	ssettm $0x1  }
0xf: {  	s18 =	sld [smem:$0x3FFB];
	_ =	sdelay $0x3  }
0x10: {  	_ =	strace s18  }
0x11: {  	s3 =	sld [smem:$0x3FFC];
	_ =	sdelay $0x3  }
0x12: {  	_ =	strace s3  }
0x13: {  	s3 =	sld [smem:$0x3FFD];
	_ =	sdelay $0x3  }
0x14: {  	_ =	strace s3  }
0x15: {  	_ =	strace $0x8FFFFFFF  }
0x16: {  	s19 =	sld [smem:$0x3FDB];
	_ =	sdelay $0x1  }
0x17: {  	s20 =	simm.s32 $_scs_section_size  }
0x18: {  	s5 =	simm.s32 $_size__tile_overlayer_lowered;
	s6 =	simm.s32 $_tile_overlayer_lowered  }
0x19: {  	s23 =	simm.s32 $0x1BFF;
	s22 =	sshll.u32 s6, $0x1;
	s3 =	sadd.s32 s20, s19  }
0x1a: {  	s7 =	simm.s32 $0x0;
	s21 =	sshll.u32 s5, $0x1;
	s5 =	sadd.s32 s22, s3  }
0x1b: {  	[timem:s7], [sflag:s23] =	dma.local [hbm:s5], s21  }
0x1c: {  	_ =	swait.ge [sflag:s23], s21  }
0x1d: {  	s4 =	ssub.s32 $0x0, s21;
	[sflag:s23] =	ssyncset.done $0x0  }
0x1e: {  	[sflag:s23] =	ssyncadd.s32 s4;
	_ =	sdelay $0x1  }
0x1f: {  	s24 =	simm.s32 $0x1B8B  }
0x20: {  	_ =	swait.ge [sflag:s24], $0x1  }
0x21: {  	[sflag:s24] =	ssyncset.done $0x0  }
0x22: {  	s26 =	simm.s32 $0x1B8E;
	s25 =	sld [smem:$0x3FFE];
	[sflag:s24] =	ssyncadd.s32 $0xFFFFFFFF  }
0x23: {  	s27 =	simm.s32 $execute0_lowered;
	[smem:$0x3FD2] =	sst s26  }
0x24: {  	s5 =	sshll.u32 s27, $0x1;
	_ =	strace $0x80000046;
	[dreg:$0x1] =	wrdreg $0xFFFFFFFF  }
0x25: {  	s28 =	simm.s32 $_size_execute0_lowered;
	s3 =	sadd.s32 s3, s5;
	[dreg:$0x0] =	wrdreg $0x0  }
0x26: {  	s5 =	sshll.u32 s28, $0x1;
	[dreg:$0x2] =	wrdreg s3  }
0x27: {  	[dreg:$0x3] =	wrdreg s5  }
0x28: {  	[dreg:$0x4] =	wrdreg $0xC0  }
0x29: {  	_ =	task [dreg:s7], $0x5FFFF  }
0x2a: {  	[dreg:$0x1] =	wrdreg $0xFFFFFFFF  }
0x2b: {  	[dreg:$0x0] =	wrdreg $0x60  }
0x2c: {  	[dreg:$0x2] =	wrdreg s25  }
0x2d: {  	[dreg:$0x3] =	wrdreg s17  }
0x2e: {  	[dreg:$0x4] =	wrdreg $0x9  }
0x2f: {  	_ =	task.clear_ibuf [dreg:s7], $0x5FFFF;
	_ =	strace $0x90000046  }
0x30: {  	s29 =	simm.s32 $0x9;
	_ =	strace $0x80000048  }
0x31: {  	_ =	swait.ge [sflag:s29], $0x1  }
0x32: {  	[sflag:s29] =	ssyncadd.s32 $0xFFFFFFFF  }
0x33: {  	_ =	strace $0x90000048  }
0x34: {  	_ =	sfence  }
0x35: {  	s30 =	sld [smem:$0x0];
	_ =	sdelay $0x2  }
0x36: {  	s31 =	sshll.u32 s1, $0xD;
	s1 =	sshrl.u32 s1, $0x2  }
0x37: {  	s3 =	sand.u32 $0x4000, s31;
	s1 =	sadd.s32 s1, s30  }
0x38: {  	s0 =	sor.u32 s3, s0;
	s1 =	sshll.u32 s1, $0x11  }
0x39: {  	s0 =	sor.u32 s1, s0  }
0x3a: {  	s0 =	sadd.s32 $0x8F2B, s0  }
0x3b: {  	[sflag:s0] =	ssyncadd.remote.s32 $0x1  }
0x3c: {  	_ =	sfence.sel $0xFFFF  }
0x3d: {  	[dreg:$0x0] =	wrdreg $0xFFFFFFFF;
	(pc) =	sbr.abs _section_cstart, $3  }
0x3e: {  	[dreg:$0x1] =	wrdreg $0xFFFFFFFF  }
0x3f: {  	_ =	task.clear_ibuf [dreg:s7], $0x2FFFF;
	_ =	strace $0x9FFFFFFF  }
0x40: {  	(tm) =	ssettm $0x7FFFFFFF  }
0x41: {  	_ =	shalt  }
tec
execute0_lowered:
.L_overlay_start_1:
0x0: {  	(tag) =	ssettag $0x1  }
0x1: {  	s0 =	srdreg.scid;
	s3 =	rddreg [dreg:$0x0]  }
0x2: {  	s2 =	rddreg [dreg:$0x1];
	s7 =	simm.s32 $0x2;
	s15 =	simm.s32 $0x0  }
0x3: {  	s8 =	simm.s32 $0x30000;
	s9 =	simm.s32 $0x0;
	s0 =	sshll.u32 s0, $0x7  }
0x4: {  	s16 =	simm.s32 $0x0;
	s17 =	simm.s32 $0x0;
	s1 =	sand.u32 $0x80, s0  }
0x5: {  	s18 =	simm.s32 $0x0;
	s10 =	simm.s32 $0x0;
	s4 =	ssub.s32 $0x400, s1  }
0x6: {  	s12 =	simm.s32 $0x0;
	s13 =	stileid.u32;
	s5 =	sshrl.u32 s4, $0x7  }
.Ltmp0:
0x7: {  	s4 =	sshrl.u32 s4, $0x8;
	s5 =	sand.u32 $0x1, s5;
	(pc) =	sbr.rel .LBB1_1-.Ltmp0, $4  }
0x8: {  	s14 =	simm.s32 $0x0;
	s0 =	rddreg [dreg:$0x2];
	s6 =	sadd.s32 s4, s5  }
0x9: {  	_ =	strace $0x80000047;
	s5 =	simm.s32 $0x1;
	s6 =	smul.u32 $0xC, s6  }
0xa: {  	s11 =	smov.u32 s1;
	s4 =	sadd.s32 $0xA00, s3;
	[sflag:s5] =	ssyncpa.u1 $0x0  }
0xb: {  	s3 =	stileid.u32;
	[sflag:s7] =	ssyncpa.u1 $0x0;
	s7 =	sor.u32 $0x1, s6  }
.LBB1_4:
0xc: {  	_ =	sdelay $0x3  }
0xd: {  	[tilespmem:v0+s21+$0xFFFFFFA0 ss:$0x1] =	vst.idx.msk $0xffff, v6  }
0xe: {  	v56 =	vld.idx.msk [tilespmem:v1+s20+$0x30 ss:$0x1], $0xffff;
	[tilespmem:v0+s21+$0xFFFFFFB0 ss:$0x1] =	vst.idx.msk $0xffff, v4  }
0xf: {  	v57 =	vld.idx.msk [tilespmem:v1+s20+$0xFFFFFFC0 ss:$0x1], $0xffff;
	[tilespmem:v0+s21+$0xFFFFFFC0 ss:$0x1] =	vst.idx.msk $0xffff, v2  }
0x10: {  	v58 =	vld.idx.msk [tilespmem:v1+s20+$0xFFFFFFD0 ss:$0x1], $0xffff;
	[tilespmem:v0+s21+$0xFFFFFFD0 ss:$0x1] =	vst.idx.msk $0xffff, v3  }
0x11: {  	v59 =	vld.idx.msk [tilespmem:v1+s20+$0xFFFFFFE0 ss:$0x1], $0xffff;
	[tilespmem:v0+s21+$0xFFFFFFE0 ss:$0x1] =	vst.idx.msk $0xffff, v5  }
0x12: {  	v60 =	vld.idx.msk [tilespmem:v1+s20+$0xFFFFFFF0 ss:$0x1], $0xffff;
	[tilespmem:v0+s21+$0xFFFFFFF0 ss:$0x1] =	vst.idx.msk $0xffff, v7  }
0x13: {  	v61 =	vld.idx.msk [tilespmem:v1+s20+$0x0 ss:$0x1], $0xffff;
	[tilespmem:v0+s20+$0x0 ss:$0x1] =	vst.idx.msk $0xffff, v56  }
0x14: {  	v62 =	vld.idx.msk [tilespmem:v1+s20+$0x10 ss:$0x1], $0xffff;
	[tilespmem:v0+s20+$0xFFFFFF90 ss:$0x1] =	vst.idx.msk $0xffff, v57  }
0x15: {  	s18 =	sshll.u32 s18, $0x7;
	v63 =	vld.idx.msk [tilespmem:v1+s20+$0x20 ss:$0x1], $0xffff;
	s29 =	sand.u32 $0x78, s15;
	s16 =	smul.u32 $0x6000, s16;
	[tilespmem:v0+s20+$0xFFFFFFA0 ss:$0x1] =	vst.idx.msk $0xffff, v58  }
0x16: {  	s17 =	sshll.u32 s17, $0xB;
	s30 =	sand.u32 $0x7, s15;
	s22 =	sand.u32 $0x380, s18;
	[tilespmem:v0+s20+$0xFFFFFFB0 ss:$0x1] =	vst.idx.msk $0xffff, v59  }
0x17: {  	s18 =	sand.u32 $0x400, s18;
	s17 =	sadd.s32 s2, s17;
	s21 =	sor.u32 s22, s29;
	[tilespmem:v0+s20+$0xFFFFFFC0 ss:$0x1] =	vst.idx.msk $0xffff, v60  }
0x18: {  	s18 =	sadd.s32 s15, s18;
	s16 =	sadd.s32 s16, s17;
	s21 =	sshrl.u32 s21, $0x3;
	[tilespmem:v0+s20+$0xFFFFFFD0 ss:$0x1] =	vst.idx.msk $0xffff, v61  }
0x19: {  	s15 =	sshll.u32 s30, $0x12;
	s31 =	sand.u32 $0x780, s18;
	s16 =	sadd.s32 s21, s16;
	[tilespmem:v0+s20+$0xFFFFFFE0 ss:$0x1] =	vst.idx.msk $0xffff, v62  }
0x1a: {  	s15 =	sor.u32 $0x80, s15;
	[tilespmem:v0+s20+$0xFFFFFFF0 ss:$0x1] =	vst.idx.msk $0xffff, v63;
	s16 =	sadd.s32 s31, s16  }
0x1b: {  	[hbm4b:s16+s15] =	stream.strided.scatter [tilespmem:s19], [sflag:$0x2], $0x4000, s8, s15, $0x38;
	[tilespmem:$0x10000] =	vst v63  }
.LBB1_5:
0x1c: {  	s19 =	sadd.s32 $0x100, s11  }
0x1d: {  	s15 =	sadd.s32 $0x80, s10;
	s20 =	smov.u32 s10;
	p1 =	sgt.s32 s19, $0x3FF  }
0x1e: {  	s20 =	smov.u32 @p1 s15  }
0x1f: {  	s15 =	simm.s32 $0x1;
	p2 =	sgt.s32 s20, $0x7F  }
0x20: {  	s15 =	simm.s32 @!p2 $0x0  }
0x21: {  	s21 =	sadd.s32 s15, s12  }
0x22: {  	s22 =	smov.u32 s13;
	s15 =	sadd.s32 $0x10, s13;
	p3 =	sgt.s32 s21, $0xB  }
0x23: {  	p0 =	slt.u32 s14, $0x2;
	s22 =	smov.u32 @p3 s15  }
0x24: {  	s16 =	smov.u32 s10;
	s19 =	smov.u32 @p1 s1;
	p1 =	sgt.s32 s22, $0xF  }
0x25: {  	s23 =	simm.s32 @!p0 $0x2;
	s22 =	smov.u32 @p1 s3;
	p1 =	sne.s32 s14, s7  }
.Ltmp1:
0x26: {  	s17 =	smov.u32 s12;
	_ =	swait.ge @!p0 [sflag:s23], $0x4000;
	(pc) =	sbr.rel @!p1 .LBB1_6-.Ltmp1, $4  }
0x27: {  	s18 =	smov.u32 s13;
	[sflag:s23] =	ssyncset.done @!p0 $0x0;
	s20 =	simm.s32 @p2 $0x0  }
0x28: {  	s9 =	sadd.s32 $0x4000, s9;
	[sflag:s23] =	ssyncadd.s32 @!p0 $0xFFFFC000;
	s10 =	smov.u32 s20  }
0x29: {  	s21 =	simm.s32 @p3 $0x0;
	s15 =	smov.u32 s11;
	s11 =	smov.u32 s19  }
0x2a: {  	s12 =	smov.u32 s21;
	s14 =	sadd.s32 $0x1, s14;
	s13 =	smov.u32 s22  }
.LBB1_1:
0x2b: {  	p0 =	sge.u32 s14, s6;
	s31 =	sadd.s32 $0xFFFFFFFF, s14  }
0x2c: {  	s19 =	sxor.u32 @!p0 $0xFFFFFFFF, s14;
	s20 =	sshll.u32 @!p0 s10, $0x7;
	s21 =	sand.u32 @!p0 $0x78, s11  }
0x2d: {  	s23 =	smul.u32 @!p0 $0x30000, s13;
	s19 =	sshll.u32 @!p0 s19, $0xE;
	s22 =	sand.u32 @!p0 $0x380, s20  }
0x2e: {  	s20 =	sand.u32 @!p0 $0x3C00, s20;
	s19 =	sand.u32 @!p0 $0x4000, s19;
	s21 =	sor.u32 @!p0 s21, s22  }
0x2f: {  	s20 =	sadd.s32 @!p0 s11, s20;
	s22 =	sshll.u32 @!p0 s12, $0xE;
	s23 =	sadd.s32 @!p0 s4, s23  }
0x30: {  	s21 =	sshrl.u32 @!p0 s21, $0x3;
	s22 =	sadd.s32 @!p0 s22, s23;
	s23 =	sand.u32 @!p0 $0x7, s11  }
0x31: {  	s20 =	sand.u32 @!p0 $0x3F80, s20;
	s21 =	sadd.s32 @!p0 s21, s22;
	s22 =	sshll.u32 @!p0 s23, $0x12  }
0x32: {  	s20 =	sadd.s32 @!p0 s20, s21;
	s21 =	sor.u32 @!p0 $0x400, s22;
	s22 =	simm.s32 @!p0 $0x2000  }
0x33: {  	[tilespmem:s19], [sflag:$0x1] =	stream.strided.gather @!p0 [hbm4b:s20+s21], $0x4000, s22, s21, $0x38;
	[tilespmem:$0x10000] =	vst v63  }
0x34: {  	p0 =	sge.u32 s31, s6  }
.Ltmp2:
0x35: {  	_ = 	snop;
	(pc) =	sbr.rel @p0 .LBB1_5-.Ltmp2, $1  }
0x36: {  	_ =	sdelay $0x3  }
0x37: {  	s19 =	sand.u32 $0x4000, s9  }
0x38: {  	s20 =	sor.u32 $0x40, s19  }
0x39: {  	v1 =	vmov s20;
	_ =	sdelay $0x1  }
0x3a: {  	_ =	swait.ge [sflag:s5], $0x4000  }
0x3b: {  	[sflag:s5] =	ssyncset.done $0x0  }
0x3c: {  	s21 =	simm.s32 $0x0;
	[sflag:s5] =	ssyncadd.s32 $0xFFFFC000  }
0x3d: {  	s19 =	sor.u32 $0x8070, s19;
	v7 =	vld.idx.msk [tilespmem:v1+s21+$0x30 ss:$0x1], $0xffff  }
0x3e: {  	v0 =	vmov s19;
	v8 =	vld.idx.msk [tilespmem:v1+s21+$0xFFFFFFC0 ss:$0x1], $0xffff  }
0x3f: {  	v6 =	vld.idx.msk [tilespmem:v1+s21+$0xFFFFFFD0 ss:$0x1], $0xffff  }
0x40: {  	v4 =	vld.idx.msk [tilespmem:v1+s21+$0xFFFFFFE0 ss:$0x1], $0xffff  }
0x41: {  	v2 =	vld.idx.msk [tilespmem:v1+s21+$0xFFFFFFF0 ss:$0x1], $0xffff  }
0x42: {  	s31 =	sshll.u32 s14, $0xE;
	v3 =	vld.idx.msk [tilespmem:v1+s21+$0x0 ss:$0x1], $0xffff  }
0x43: {  	s19 =	sand.u32 $0x4000, s31;
	v5 =	vld.idx.msk [tilespmem:v1+s21+$0x10 ss:$0x1], $0xffff;
	[tilespmem:v0+s21+$0x0 ss:$0x1] =	vst.idx.msk $0xffff, v7  }
0x44: {  	s22 =	simm.s32 $0x400;
	s20 =	simm.s32 $0x80;
	s19 =	sor.u32 $0x8000, s19;
	[tilespmem:v0+s21+$0xFFFFFF90 ss:$0x1] =	vst.idx.msk $0xffff, v8;
	v7 =	vld.idx.msk [tilespmem:v1+s21+$0x20 ss:$0x1], $0xffff  }
.LBB1_3:
0x45: {  	p0 =	sne.s32 s22, $0xFE00;
	v8 =	vld.idx.msk [tilespmem:v1+s20+$0x30 ss:$0x1], $0xffff;
	[tilespmem:v0+s21+$0xFFFFFFA0 ss:$0x1] =	vst.idx.msk $0xffff, v6  }
0x46: {  	v9 =	vld.idx.msk [tilespmem:v1+s20+$0xFFFFFFC0 ss:$0x1], $0xffff;
	[tilespmem:v0+s21+$0xFFFFFFB0 ss:$0x1] =	vst.idx.msk $0xffff, v4  }
0x47: {  	v6 =	vld.idx.msk [tilespmem:v1+s20+$0xFFFFFFD0 ss:$0x1], $0xffff;
	[tilespmem:v0+s21+$0xFFFFFFC0 ss:$0x1] =	vst.idx.msk $0xffff, v2  }
.Ltmp3:
0x48: {  	v4 =	vld.idx.msk [tilespmem:v1+s20+$0xFFFFFFE0 ss:$0x1], $0xffff;
	[tilespmem:v0+s21+$0xFFFFFFD0 ss:$0x1] =	vst.idx.msk $0xffff, v3;
	(pc) =	sbr.rel @p0 .LBB1_3-.Ltmp3, $4  }
0x49: {  	v2 =	vld.idx.msk [tilespmem:v1+s20+$0xFFFFFFF0 ss:$0x1], $0xffff;
	[tilespmem:v0+s21+$0xFFFFFFE0 ss:$0x1] =	vst.idx.msk $0xffff, v5  }
0x4a: {  	v3 =	vld.idx.msk [tilespmem:v1+s20+$0x0 ss:$0x1], $0xffff;
	[tilespmem:v0+s21+$0xFFFFFFF0 ss:$0x1] =	vst.idx.msk $0xffff, v7;
	s21 =	smov.u32 s20  }
0x4b: {  	v5 =	vld.idx.msk [tilespmem:v1+s21+$0x10 ss:$0x1], $0xffff;
	[tilespmem:v0+s21+$0x0 ss:$0x1] =	vst.idx.msk $0xffff, v8  }
0x4c: {  	s20 =	sshra.s32 s22, $0x2;
	s22 =	sadd.s32 $0x200, s22;
	[tilespmem:v0+s21+$0xFFFFFF90 ss:$0x1] =	vst.idx.msk $0xffff, v9;
	v7 =	vld.idx.msk [tilespmem:v1+s21+$0x20 ss:$0x1], $0xffff  }
.Ltmp4:
0x4d: {  	_ = 	snop;
	(pc) =	sbr.rel .LBB1_4-.Ltmp4, $1  }
0x4e: {  	_ =	sdelay $0x3  }
.LBB1_6:
0x4f: {  	_ =	sfence.sel $0x180000  }
0x50: {  	s1 =	simm.s32 $0x1;
	[bflag:$0x0] =	sbarrier.arrive $0xFFFF  }
0x51: {  	s31 =	simm.s32 $0x2;
	[sflag:s1] =	ssyncpa.u1 $0x1  }
0x52: {  	[sflag:s31] =	ssyncpa.u1 $0x1  }
0x53: {  	p0 =	sne.s32 s3, $0x0;
	_ =	strace $0x90000047  }
0x54: {  	s0 =	sadd.s32 @!p0 $0x100000, s0;
	[bflag:$0x2] =	sbarrier.arrive $0xFFFF  }
0x55: {  	[sflag:s0] =	ssyncadd.tile.s32 @!p0 $0x1;
	_ =	shalt  }
.Lfunc_end1:
_tile_overlayer_lowered:
.L_overlay_start_2:
0x56: {  	(tag) =	ssettag $0x2  }
0x57: {  	s0 =	rddreg [dreg:$0x0];
	s2 =	stileid.u32  }
0x58: {  	s1 =	rddreg [dreg:$0x1];
	p0 =	sne.s32 s2, $0x0  }
0x59: {  	s3 =	rddreg [dreg:$0x2];
	[bflag:$0x3] =	sbarrier.arrive $0xFFFF;
	s2 =	simm.s32 @!p0 $0x1C01  }
0x5a: {  	[timem:s3], [sflag:s2] =	dma.local @!p0 [hbm:s0], s1  }
0x5b: {  	s0 =	simm.s32 @!p0 $0x1  }
0x5c: {  	_ =	swait.ge @!p0 [sflag:s0], s1  }
0x5d: {  	s1 =	ssub.s32 @!p0 $0x0, s1;
	[sflag:s0] =	ssyncset.done @!p0 $0x0  }
0x5e: {  	[sflag:s0] =	ssyncadd.s32 @!p0 s1  }
0x5f: {  	[bflag:$0x3] =	sbarrier.arrive $0xFFFF  }
0x60: {  	_ =	shalt  }

</sc_bundles>
